<compile_context>
chip_gen: v7x
topology: tpu7x:2x2x1
jax: 0.10.2.dev20260603
libtpu: 0.0.44.dev20260713+nightly
codegen_flags: <defaults>
</compile_context>

<pallas_src>
import functools

import jax
import jax.numpy as jnp
from jax import lax
from jax.experimental import pallas as pl
from jax.experimental.pallas import tpu as pltpu
from jax.experimental.pallas import tpu_sc as plsc

N = 10000
E = 320000
D = 128

NC = 2
NT = 16
NW = NC * NT
EPT = E // NT
EPW = E // NW
TQ, TCH = 19968, 20480
WQ, WCH = 9984, 10496
NBINS = 10240
COLS = NBINS // NT
VPC = COLS // 16


def _nrsqrt(x):
    i = plsc.bitcast(x, jnp.int32)
    y = plsc.bitcast(jnp.int32(0x5F3759DF) - (i >> 1), jnp.float32)
    for _ in range(3):
        y = y * (1.5 - 0.5 * x * y * y)
    return y


def _sc_edge_work(edge_index):
    mesh = plsc.VectorSubcoreMesh(
        core_axis_name="c", subcore_axis_name="s", num_cores=NC,
        num_subcores=NT)

    @functools.partial(
        pl.kernel,
        out_type=(
            jax.ShapeDtypeStruct((NW, NBINS), jnp.float32),
            jax.ShapeDtypeStruct((NW, NBINS), jnp.float32),
        ),
        mesh=mesh,
        compiler_params=pltpu.CompilerParams(needs_layout_passes=False),
        scratch_types=[
            pltpu.VMEM((2, WCH), jnp.int32),
            pltpu.VMEM((2, TCH), jnp.int32),
            pltpu.VMEM((NBINS,), jnp.float32),
            pltpu.VMEM((NBINS,), jnp.float32),
            pltpu.VMEM((NBINS,), jnp.float32),
            pltpu.VMEM((NT, COLS), jnp.float32),
            pltpu.VMEM((COLS,), jnp.float32),
            pltpu.VMEM_SHARED((NT, NBINS), jnp.float32),
            pltpu.VMEM_SHARED((NBINS,), jnp.float32),
            pltpu.SemaphoreType.DMA,
            pltpu.SemaphoreType.DMA,
        ],
    )
    def kern(ei_hbm, sp_hbm, od_hbm, wbuf, tbuf, ha, hb, rsqf,
             t16, buf, stB, shR, sem1, sem2):
        cid = lax.axis_index("c")
        sid = lax.axis_index("s")
        wid = sid * NC + cid
        n0 = sid * COLS
        zeros16 = jnp.zeros((16,), jnp.float32)
        ones16 = jnp.ones((16,), jnp.float32)
        iota16 = lax.iota(jnp.int32, 16)
        cnt_t = jnp.where(sid < NT - 1, TQ, TCH)
        cnt_w = jnp.where(wid < NW - 1, WQ, WCH)

        cps = pltpu.async_copy(ei_hbm.at[:, pl.ds(wid * WQ, WCH)], wbuf, sem1)
        cpd = pltpu.async_copy(ei_hbm.at[:, pl.ds(sid * TQ, TCH)], tbuf, sem2)

        @plsc.parallel_loop(0, NBINS // 16, unroll=16)
        def _(k):
            ha[pl.ds(k * 16, 16)] = zeros16
            hb[pl.ds(k * 16, 16)] = zeros16

        cps.wait()
        cpd.wait()

        @plsc.parallel_loop(0, TCH // 16, unroll=8)
        def _(i):
            o = i * 16
            m = (o + iota16) < cnt_t
            plsc.addupdate_scatter(hb, [tbuf[1, pl.ds(o, 16)]], ones16,
                                   mask=m)

        @plsc.parallel_loop(0, WCH // 16, unroll=8)
        def _(i):
            o = i * 16
            m = (o + iota16) < cnt_w
            plsc.addupdate_scatter(ha, [wbuf[0, pl.ds(o, 16)]], ones16,
                                   mask=m)

        cpha = pltpu.async_copy(ha, od_hbm.at[wid], sem1)
        pltpu.sync_copy(hb, stB.at[sid])
        plsc.subcore_barrier()
        cpha.wait()

        pltpu.sync_copy(stB.at[:, pl.ds(n0, COLS)], t16)

        @plsc.parallel_loop(0, VPC, unroll=4)
        def _(k):
            s_ = pl.ds(k * 16, 16)
            acc = t16[0, s_]
            for r in range(1, NT):
                acc = acc + t16[r, s_]
            buf[s_] = _nrsqrt(jnp.maximum(acc, 1.0))

        pltpu.sync_copy(buf, shR.at[pl.ds(n0, COLS)])
        plsc.subcore_barrier()
        cpr = pltpu.async_copy(shR, rsqf, sem1)

        @plsc.parallel_loop(0, NBINS // 16, unroll=16)
        def _(k):
            ha[pl.ds(k * 16, 16)] = zeros16

        cpr.wait()

        @plsc.parallel_loop(0, WCH // 16, unroll=8)
        def _(i):
            o = i * 16
            m = (o + iota16) < cnt_w
            v = plsc.load_gather(rsqf, [wbuf[1, pl.ds(o, 16)]], mask=m)
            plsc.addupdate_scatter(ha, [wbuf[0, pl.ds(o, 16)]], v, mask=m)

        pltpu.sync_copy(ha, sp_hbm.at[wid])

    return kern(edge_index)


def _tc_finish(s_parts, od_parts, h, W, b2, fc_W, fcb2):
    def body(sp_ref, od_ref, h_ref, W_ref, b_ref, fcW_ref, fcb_ref, o_ref):
        s = jnp.sum(sp_ref[...], axis=0, keepdims=True)
        od = jnp.sum(od_ref[...], axis=0, keepdims=True)
        w2 = (s * lax.rsqrt(jnp.maximum(od, 1.0)))[:, :N]
        v = lax.dot_general(w2, h_ref[...],
                            (((1,), (0,)), ((), ())),
                            preferred_element_type=jnp.float32,
                            precision=lax.Precision.HIGHEST)
        hg = lax.dot_general(v, W_ref[...],
                             (((1,), (0,)), ((), ())),
                             preferred_element_type=jnp.float32,
                             precision=lax.Precision.HIGHEST)
        hg = hg * (1.0 / N) + b_ref[...]
        out = lax.dot_general(hg, fcW_ref[...],
                              (((1,), (1,)), ((), ())),
                              preferred_element_type=jnp.float32,
                              precision=lax.Precision.HIGHEST)
        o_ref[...] = out + fcb_ref[...]

    return pl.pallas_call(
        body,
        out_shape=jax.ShapeDtypeStruct((1, D), jnp.float32),
    )(s_parts, od_parts, h, W, b2, fc_W, fcb2)


def kernel(h, edge_index, W, b, fc_W, fc_b):
    s_parts, od_parts = _sc_edge_work(edge_index)
    return _tc_finish(s_parts, od_parts, h, W,
                      b.reshape(1, D), fc_W, fc_b.reshape(1, D))

# --- scband reference (transcript-rebuilt; emitter-appended) ---
"""Pipeline reference for scband-model-52888227283485 (READ-ONLY COPY).

The authoritative reference and input builder live on the scoring server;
editing this copy changes nothing except your own understanding.
"""

import jax, jax.numpy as jnp
import numpy as np

N = 10000
E = 320000
D_IN = 128
D_OUT = 128


def setup_inputs(seed: int = 0) -> dict:
    key = jax.random.key(seed)
    k1, k2, k3, k4, k5 = jax.random.split(key, 5)
    h = jax.random.normal(k1, (N, D_IN), dtype=jnp.float32)
    edge_index = jax.random.randint(k2, (2, E), 0, N).astype(jnp.int32)
    # GraphConv weight (xavier-like) and bias
    limit = float(np.sqrt(6.0 / (D_IN + D_OUT)))
    W = jax.random.uniform(k3, (D_IN, D_OUT), dtype=jnp.float32, minval=-limit, maxval=limit)
    b = jnp.zeros((D_OUT,), dtype=jnp.float32)
    # fc weight (xavier_uniform) and bias
    limit2 = float(np.sqrt(6.0 / (D_OUT + D_OUT)))
    fc_W = jax.random.uniform(k4, (D_OUT, D_OUT), dtype=jnp.float32, minval=-limit2, maxval=limit2)
    fc_b = jnp.zeros((D_OUT,), dtype=jnp.float32)
    return {"h": h, "edge_index": edge_index, "W": W, "b": b, "fc_W": fc_W, "fc_b": fc_b}


def reference(h, edge_index, W, b, fc_W, fc_b):
    # DGL GraphConv with norm='both', single graph, embed=False, edge_weight=None
    src = edge_index[0]
    dst = edge_index[1]
    ones = jnp.ones((E,), dtype=h.dtype)
    out_deg = jnp.zeros((N,), dtype=h.dtype).at[src].add(ones)
    in_deg = jnp.zeros((N,), dtype=h.dtype).at[dst].add(ones)
    out_deg = jnp.clip(out_deg, 1.0, None)
    in_deg = jnp.clip(in_deg, 1.0, None)
    # left normalization by src out-degree^{-1/2}
    x = h * jax.lax.rsqrt(out_deg)[:, None]
    # apply weight (in_feats == out_feats, order is mathematically equivalent)
    x = x @ W
    # message passing: gather from src, scatter-add to dst
    agg = jnp.zeros((N, D_OUT), dtype=x.dtype).at[dst].add(x[src])
    # right normalization by dst in-degree^{-1/2}, plus bias
    hc = agg * jax.lax.rsqrt(in_deg)[:, None] + b
    # dgl.mean_nodes over the single graph -> [1, D_OUT]
    hg = jnp.mean(hc, axis=0, keepdims=True)
    # fc
    return hg @ fc_W.T + fc_b

if __name__ == "__main__":
    import jax
    _d = setup_inputs()
    print(jax.jit(kernel)(*tuple(_d.values())))

</pallas_src>

<mosaic_0001>
#map = affine_map<(d0, d1) -> (0, 0)>
module attributes {stable_mosaic.version = 14 : i64} {
  func.func @kern(%arg0: i32, %arg1: i32, %arg2: memref<2x320000xi32, #tpu.memory_space<hbm>>, %arg3: memref<32x10240xf32, #tpu.memory_space<hbm>>, %arg4: memref<32x10240xf32, #tpu.memory_space<hbm>>, %arg5: memref<2x10496xi32, #tpu.memory_space<vmem>>, %arg6: memref<2x20480xi32, #tpu.memory_space<vmem>>, %arg7: memref<10240xf32, #tpu.memory_space<vmem>>, %arg8: memref<10240xf32, #tpu.memory_space<vmem>>, %arg9: memref<10240xf32, #tpu.memory_space<vmem>>, %arg10: memref<16x640xf32, #tpu.memory_space<vmem>>, %arg11: memref<640xf32, #tpu.memory_space<vmem>>, %arg12: memref<16x10240xf32, #tpu.memory_space<vmem_shared>>, %arg13: memref<10240xf32, #tpu.memory_space<vmem_shared>>, %arg14: memref<!tpu.dma_semaphore, #tpu.memory_space<semaphore_mem>>, %arg15: memref<!tpu.dma_semaphore, #tpu.memory_space<semaphore_mem>>) attributes {dimension_semantics = [#tpu.dimension_semantics<core_parallel>, #tpu.dimension_semantics<subcore_parallel>], iteration_bounds = array<i64: 2, 16>, scalar_prefetch = 0 : i64, scratch_operands = 11 : i64, tpu.core_type = #tpu.core_type<sc_vector_subcore>, window_params = [{transform_indices = #map}, {transform_indices = #map}, {transform_indices = #map}]} {
    %mul3A = arith.constant 2 : i32
    %mul3A_0 = arith.muli %arg1, %mul3A : i32
    %add3A = arith.addi %mul3A_0, %arg0 : i32
    %mul3A_1 = arith.constant 640 : i32
    %mul3A_2 = arith.muli %arg1, %mul3A_1 : i32
    %broadcast_in_dim3A = arith.constant 0.000000e+00 : f32
    %broadcast_in_dim3A_3 = vector.broadcast %broadcast_in_dim3A : f32 to vector<16xf32>
    %broadcast_in_dim3A_4 = arith.constant 1.000000e+00 : f32
    %broadcast_in_dim3A_5 = vector.broadcast %broadcast_in_dim3A_4 : f32 to vector<16xf32>
    %iota3A = tpu.iota {dimensions = array<i32: 0>} : vector<16xi32>
    %lt3A = arith.constant 15 : i32
    %lt3A_6 = arith.cmpi slt, %arg1, %lt3A : i32
    %jit3A = arith.constant 19968 : i32
    %jit3A_7 = arith.constant 20480 : i32
    %select_n3A = arith.select %lt3A_6, %jit3A, %jit3A_7 : i32
    %lt3A_8 = arith.constant 31 : i32
    %lt3A_9 = arith.cmpi slt, %add3A, %lt3A_8 : i32
    %jit3A_10 = arith.constant 9984 : i32
    %jit3A_11 = arith.constant 10496 : i32
    %select_n3A_12 = arith.select %lt3A_9, %jit3A_10, %jit3A_11 : i32
    %mul3A_13 = arith.constant 9984 : i32
    %mul3A_14 = arith.muli %add3A, %mul3A_13 : i32
    %dma_start3A = arith.constant 0 : i32
    %dma_start3A_15 = tpu.memref_slice %arg2[%dma_start3A, %mul3A_14] : memref<2x320000xi32, #tpu.memory_space<hbm>> -> memref<2x10496xi32, #tpu.memory_space<hbm>>
    %dma_start3A_16 = arith.constant 0 : i32
    %dma_start3A_17 = tpu.memref_slice %arg2[%dma_start3A_16, %mul3A_14] : memref<2x320000xi32, #tpu.memory_space<hbm>> -> memref<2x10496xi32, #tpu.memory_space<hbm>>
    tpu.enqueue_dma source(%dma_start3A_17 : memref<2x10496xi32, #tpu.memory_space<hbm>>) target(%arg5 : memref<2x10496xi32, #tpu.memory_space<vmem>>) target_semaphore(%arg14 : memref<!tpu.dma_semaphore, #tpu.memory_space<semaphore_mem>>)
    %mul3A_18 = arith.constant 19968 : i32
    %mul3A_19 = arith.muli %arg1, %mul3A_18 : i32
    %dma_start3A_20 = arith.constant 0 : i32
    %dma_start3A_21 = tpu.memref_slice %arg2[%dma_start3A_20, %mul3A_19] : memref<2x320000xi32, #tpu.memory_space<hbm>> -> memref<2x20480xi32, #tpu.memory_space<hbm>>
    %dma_start3A_22 = arith.constant 0 : i32
    %dma_start3A_23 = tpu.memref_slice %arg2[%dma_start3A_22, %mul3A_19] : memref<2x320000xi32, #tpu.memory_space<hbm>> -> memref<2x20480xi32, #tpu.memory_space<hbm>>
    tpu.enqueue_dma source(%dma_start3A_23 : memref<2x20480xi32, #tpu.memory_space<hbm>>) target(%arg6 : memref<2x20480xi32, #tpu.memory_space<vmem>>) target_semaphore(%arg15 : memref<!tpu.dma_semaphore, #tpu.memory_space<semaphore_mem>>)
    %parallel_loop3A = arith.constant 0 : i32
    %parallel_loop3A_24 = arith.constant 640 : i32
    %parallel_loop3A_25 = arith.constant 1 : i32
    scf.for %parallel_loop3A_61 = %parallel_loop3A to %parallel_loop3A_24 step %parallel_loop3A_25  : i32 {
      %parallel_loop3A_62 = arith.constant 16 : i32
      %parallel_loop3A_63 = arith.muli %parallel_loop3A_61, %parallel_loop3A_62 : i32
      %parallel_loop3A_64 = arith.index_cast %parallel_loop3A_63 : i32 to index
      %parallel_loop3A_65 = tpu.vector_load %arg7[%parallel_loop3A_64] {strides = array<i32>} : memref<10240xf32, #tpu.memory_space<vmem>>, vector<16xf32>,
      tpu.vector_store %arg7[%parallel_loop3A_64], %broadcast_in_dim3A_3 {strides = array<i32>} : memref<10240xf32, #tpu.memory_space<vmem>>, vector<16xf32>,
      %parallel_loop3A_66 = arith.constant 16 : i32
      %parallel_loop3A_67 = arith.muli %parallel_loop3A_61, %parallel_loop3A_66 : i32
      %parallel_loop3A_68 = arith.index_cast %parallel_loop3A_67 : i32 to index
      %parallel_loop3A_69 = tpu.vector_load %arg8[%parallel_loop3A_68] {strides = array<i32>} : memref<10240xf32, #tpu.memory_space<vmem>>, vector<16xf32>,
      tpu.vector_store %arg8[%parallel_loop3A_68], %broadcast_in_dim3A_3 {strides = array<i32>} : memref<10240xf32, #tpu.memory_space<vmem>>, vector<16xf32>,
    } {sc.loop_unroll_factor = 16 : i64, sc.parallel_access}
    %dma_wait3A = arith.constant 0 : i32
    %dma_wait3A_26 = tpu.memref_slice %arg2[%dma_wait3A, %mul3A_14] : memref<2x320000xi32, #tpu.memory_space<hbm>> -> memref<2x10496xi32, #tpu.memory_space<hbm>>
    %dma_wait3A_27 = arith.constant 0 : i32
    %dma_wait3A_28 = tpu.memref_slice %arg2[%dma_wait3A_27, %mul3A_14] : memref<2x320000xi32, #tpu.memory_space<hbm>> -> memref<2x10496xi32, #tpu.memory_space<hbm>>
    tpu.wait_dma2 semaphore(%arg14 : memref<!tpu.dma_semaphore, #tpu.memory_space<semaphore_mem>>) src(%dma_wait3A_28 : memref<2x10496xi32, #tpu.memory_space<hbm>>) dst(%arg5 : memref<2x10496xi32, #tpu.memory_space<vmem>>)
    %dma_wait3A_29 = arith.constant 0 : i32
    %dma_wait3A_30 = tpu.memref_slice %arg2[%dma_wait3A_29, %mul3A_19] : memref<2x320000xi32, #tpu.memory_space<hbm>> -> memref<2x20480xi32, #tpu.memory_space<hbm>>
    %dma_wait3A_31 = arith.constant 0 : i32
    %dma_wait3A_32 = tpu.memref_slice %arg2[%dma_wait3A_31, %mul3A_19] : memref<2x320000xi32, #tpu.memory_space<hbm>> -> memref<2x20480xi32, #tpu.memory_space<hbm>>
    tpu.wait_dma2 semaphore(%arg15 : memref<!tpu.dma_semaphore, #tpu.memory_space<semaphore_mem>>) src(%dma_wait3A_32 : memref<2x20480xi32, #tpu.memory_space<hbm>>) dst(%arg6 : memref<2x20480xi32, #tpu.memory_space<vmem>>)
    %parallel_loop3A_33 = arith.constant 0 : i32
    %parallel_loop3A_34 = arith.constant 1280 : i32
    %parallel_loop3A_35 = arith.constant 1 : i32
    scf.for %parallel_loop3A_61 = %parallel_loop3A_33 to %parallel_loop3A_34 step %parallel_loop3A_35  : i32 {
      %parallel_loop3A_62 = arith.constant 16 : i32
      %parallel_loop3A_63 = arith.muli %parallel_loop3A_61, %parallel_loop3A_62 : i32
      %parallel_loop3A_64 = vector.broadcast %parallel_loop3A_63 : i32 to vector<16xi32>
      %parallel_loop3A_65 = arith.addi %parallel_loop3A_64, %iota3A : vector<16xi32>
      %parallel_loop3A_66 = vector.broadcast %select_n3A : i32 to vector<16xi32>
      %parallel_loop3A_67 = arith.cmpi slt, %parallel_loop3A_65, %parallel_loop3A_66 : vector<16xi32>
      %parallel_loop3A_68 = arith.constant 1 : i32
      %parallel_loop3A_69 = arith.index_cast %parallel_loop3A_68 : i32 to index
      %parallel_loop3A_70 = arith.index_cast %parallel_loop3A_63 : i32 to index
      %parallel_loop3A_71 = tpu.vector_load %arg6[%parallel_loop3A_69, %parallel_loop3A_70] {strides = array<i32>} : memref<2x20480xi32, #tpu.memory_space<vmem>>, vector<16xi32>,
      tpu.vector_store_idx %arg8[%parallel_loop3A_71], %broadcast_in_dim3A_5 masked %parallel_loop3A_67 {add = true} : memref<10240xf32, #tpu.memory_space<vmem>>[vector<16xi32>], vector<16xf32>, vector<16xi1>
    } {sc.loop_unroll_factor = 8 : i64, sc.parallel_access}
    %parallel_loop3A_36 = arith.constant 0 : i32
    %parallel_loop3A_37 = arith.constant 656 : i32
    %parallel_loop3A_38 = arith.constant 1 : i32
    scf.for %parallel_loop3A_61 = %parallel_loop3A_36 to %parallel_loop3A_37 step %parallel_loop3A_38  : i32 {
      %parallel_loop3A_62 = arith.constant 16 : i32
      %parallel_loop3A_63 = arith.muli %parallel_loop3A_61, %parallel_loop3A_62 : i32
      %parallel_loop3A_64 = vector.broadcast %parallel_loop3A_63 : i32 to vector<16xi32>
      %parallel_loop3A_65 = arith.addi %parallel_loop3A_64, %iota3A : vector<16xi32>
      %parallel_loop3A_66 = vector.broadcast %select_n3A_12 : i32 to vector<16xi32>
      %parallel_loop3A_67 = arith.cmpi slt, %parallel_loop3A_65, %parallel_loop3A_66 : vector<16xi32>
      %parallel_loop3A_68 = arith.constant 0 : i32
      %parallel_loop3A_69 = arith.index_cast %parallel_loop3A_68 : i32 to index
      %parallel_loop3A_70 = arith.index_cast %parallel_loop3A_63 : i32 to index
      %parallel_loop3A_71 = tpu.vector_load %arg5[%parallel_loop3A_69, %parallel_loop3A_70] {strides = array<i32>} : memref<2x10496xi32, #tpu.memory_space<vmem>>, vector<16xi32>,
      tpu.vector_store_idx %arg7[%parallel_loop3A_71], %broadcast_in_dim3A_5 masked %parallel_loop3A_67 {add = true} : memref<10240xf32, #tpu.memory_space<vmem>>[vector<16xi32>], vector<16xf32>, vector<16xi1>
    } {sc.loop_unroll_factor = 8 : i64, sc.parallel_access}
    %dma_start3A_39 = arith.constant 0 : i32
    %dma_start3A_40 = tpu.memref_slice %arg4[%add3A, %dma_start3A_39] : memref<32x10240xf32, #tpu.memory_space<hbm>> -> memref<1x10240xf32, #tpu.memory_space<hbm>>
    %dma_start3A_41 = tpu.memref_squeeze %dma_start3A_40 : memref<1x10240xf32, #tpu.memory_space<hbm>> -> memref<10240xf32, #tpu.memory_space<hbm>>
    %dma_start3A_42 = arith.constant 0 : i32
    %dma_start3A_43 = tpu.memref_slice %arg4[%add3A, %dma_start3A_42] : memref<32x10240xf32, #tpu.memory_space<hbm>> -> memref<1x10240xf32, #tpu.memory_space<hbm>>
    %dma_start3A_44 = tpu.memref_squeeze %dma_start3A_43 : memref<1x10240xf32, #tpu.memory_space<hbm>> -> memref<10240xf32, #tpu.memory_space<hbm>>
    tpu.enqueue_dma source(%arg7 : memref<10240xf32, #tpu.memory_space<vmem>>) target(%dma_start3A_44 : memref<10240xf32, #tpu.memory_space<hbm>>) target_semaphore(%arg14 : memref<!tpu.dma_semaphore, #tpu.memory_space<semaphore_mem>>)
    "tpu.region"() ({
      %run_scoped3A = tpu.sem_alloc : memref<!tpu.dma_semaphore, #tpu.memory_space<semaphore_mem>>
      %dma_start3A_61 = arith.constant 0 : i32
      %dma_start3A_62 = tpu.memref_slice %arg12[%arg1, %dma_start3A_61] : memref<16x10240xf32, #tpu.memory_space<vmem_shared>> -> memref<1x10240xf32, #tpu.memory_space<vmem_shared>>
      %dma_start3A_63 = tpu.memref_squeeze %dma_start3A_62 : memref<1x10240xf32, #tpu.memory_space<vmem_shared>> -> memref<10240xf32, #tpu.memory_space<vmem_shared>>
      %dma_start3A_64 = arith.constant 0 : i32
      %dma_start3A_65 = tpu.memref_slice %arg12[%arg1, %dma_start3A_64] : memref<16x10240xf32, #tpu.memory_space<vmem_shared>> -> memref<1x10240xf32, #tpu.memory_space<vmem_shared>>
      %dma_start3A_66 = tpu.memref_squeeze %dma_start3A_65 : memref<1x10240xf32, #tpu.memory_space<vmem_shared>> -> memref<10240xf32, #tpu.memory_space<vmem_shared>>
      tpu.enqueue_dma source(%arg8 : memref<10240xf32, #tpu.memory_space<vmem>>) target(%dma_start3A_66 : memref<10240xf32, #tpu.memory_space<vmem_shared>>) target_semaphore(%run_scoped3A : memref<!tpu.dma_semaphore, #tpu.memory_space<semaphore_mem>>)
      %dma_wait3A_67 = arith.constant 0 : i32
      %dma_wait3A_68 = tpu.memref_slice %arg12[%arg1, %dma_wait3A_67] : memref<16x10240xf32, #tpu.memory_space<vmem_shared>> -> memref<1x10240xf32, #tpu.memory_space<vmem_shared>>
      %dma_wait3A_69 = tpu.memref_squeeze %dma_wait3A_68 : memref<1x10240xf32, #tpu.memory_space<vmem_shared>> -> memref<10240xf32, #tpu.memory_space<vmem_shared>>
      %dma_wait3A_70 = arith.constant 0 : i32
      %dma_wait3A_71 = tpu.memref_slice %arg12[%arg1, %dma_wait3A_70] : memref<16x10240xf32, #tpu.memory_space<vmem_shared>> -> memref<1x10240xf32, #tpu.memory_space<vmem_shared>>
      %dma_wait3A_72 = tpu.memref_squeeze %dma_wait3A_71 : memref<1x10240xf32, #tpu.memory_space<vmem_shared>> -> memref<10240xf32, #tpu.memory_space<vmem_shared>>
      tpu.wait_dma2 semaphore(%run_scoped3A : memref<!tpu.dma_semaphore, #tpu.memory_space<semaphore_mem>>) src(%arg8 : memref<10240xf32, #tpu.memory_space<vmem>>) dst(%dma_wait3A_72 : memref<10240xf32, #tpu.memory_space<vmem_shared>>)
      tpu.yield
    }) : () -> ()
    %barrier3A = arith.constant 0 : index
    tpu.barrier barrier_id(%barrier3A)
    %dma_wait3A_45 = arith.constant 0 : i32
    %dma_wait3A_46 = tpu.memref_slice %arg4[%add3A, %dma_wait3A_45] : memref<32x10240xf32, #tpu.memory_space<hbm>> -> memref<1x10240xf32, #tpu.memory_space<hbm>>
    %dma_wait3A_47 = tpu.memref_squeeze %dma_wait3A_46 : memref<1x10240xf32, #tpu.memory_space<hbm>> -> memref<10240xf32, #tpu.memory_space<hbm>>
    %dma_wait3A_48 = arith.constant 0 : i32
    %dma_wait3A_49 = tpu.memref_slice %arg4[%add3A, %dma_wait3A_48] : memref<32x10240xf32, #tpu.memory_space<hbm>> -> memref<1x10240xf32, #tpu.memory_space<hbm>>
    %dma_wait3A_50 = tpu.memref_squeeze %dma_wait3A_49 : memref<1x10240xf32, #tpu.memory_space<hbm>> -> memref<10240xf32, #tpu.memory_space<hbm>>
    tpu.wait_dma2 semaphore(%arg14 : memref<!tpu.dma_semaphore, #tpu.memory_space<semaphore_mem>>) src(%arg7 : memref<10240xf32, #tpu.memory_space<vmem>>) dst(%dma_wait3A_50 : memref<10240xf32, #tpu.memory_space<hbm>>)
    "tpu.region"() ({
      %run_scoped3A = tpu.sem_alloc : memref<!tpu.dma_semaphore, #tpu.memory_space<semaphore_mem>>
      %dma_start3A_61 = arith.constant 0 : i32
      %dma_start3A_62 = tpu.memref_slice %arg12[%dma_start3A_61, %mul3A_2] : memref<16x10240xf32, #tpu.memory_space<vmem_shared>> -> memref<16x640xf32, #tpu.memory_space<vmem_shared>>
      %dma_start3A_63 = arith.constant 0 : i32
      %dma_start3A_64 = tpu.memref_slice %arg12[%dma_start3A_63, %mul3A_2] : memref<16x10240xf32, #tpu.memory_space<vmem_shared>> -> memref<16x640xf32, #tpu.memory_space<vmem_shared>>
      tpu.enqueue_dma source(%dma_start3A_64 : memref<16x640xf32, #tpu.memory_space<vmem_shared>>) target(%arg10 : memref<16x640xf32, #tpu.memory_space<vmem>>) target_semaphore(%run_scoped3A : memref<!tpu.dma_semaphore, #tpu.memory_space<semaphore_mem>>)
      %dma_wait3A_65 = arith.constant 0 : i32
      %dma_wait3A_66 = tpu.memref_slice %arg12[%dma_wait3A_65, %mul3A_2] : memref<16x10240xf32, #tpu.memory_space<vmem_shared>> -> memref<16x640xf32, #tpu.memory_space<vmem_shared>>
      %dma_wait3A_67 = arith.constant 0 : i32
      %dma_wait3A_68 = tpu.memref_slice %arg12[%dma_wait3A_67, %mul3A_2] : memref<16x10240xf32, #tpu.memory_space<vmem_shared>> -> memref<16x640xf32, #tpu.memory_space<vmem_shared>>
      tpu.wait_dma2 semaphore(%run_scoped3A : memref<!tpu.dma_semaphore, #tpu.memory_space<semaphore_mem>>) src(%dma_wait3A_68 : memref<16x640xf32, #tpu.memory_space<vmem_shared>>) dst(%arg10 : memref<16x640xf32, #tpu.memory_space<vmem>>)
      tpu.yield
    }) : () -> ()
    %parallel_loop3A_51 = arith.constant 0 : i32
    %parallel_loop3A_52 = arith.constant 40 : i32
    %parallel_loop3A_53 = arith.constant 1 : i32
    scf.for %parallel_loop3A_61 = %parallel_loop3A_51 to %parallel_loop3A_52 step %parallel_loop3A_53  : i32 {
      %parallel_loop3A_62 = arith.constant 16 : i32
      %parallel_loop3A_63 = arith.muli %parallel_loop3A_61, %parallel_loop3A_62 : i32
      %parallel_loop3A_64 = arith.constant 0 : i32
      %parallel_loop3A_65 = arith.index_cast %parallel_loop3A_64 : i32 to index
      %parallel_loop3A_66 = arith.index_cast %parallel_loop3A_63 : i32 to index
      %parallel_loop3A_67 = tpu.vector_load %arg10[%parallel_loop3A_65, %parallel_loop3A_66] {strides = array<i32>} : memref<16x640xf32, #tpu.memory_space<vmem>>, vector<16xf32>,
      %parallel_loop3A_68 = arith.constant 1 : i32
      %parallel_loop3A_69 = arith.index_cast %parallel_loop3A_68 : i32 to index
      %parallel_loop3A_70 = arith.index_cast %parallel_loop3A_63 : i32 to index
      %parallel_loop3A_71 = tpu.vector_load %arg10[%parallel_loop3A_69, %parallel_loop3A_70] {strides = array<i32>} : memref<16x640xf32, #tpu.memory_space<vmem>>, vector<16xf32>,
      %parallel_loop3A_72 = arith.addf %parallel_loop3A_67, %parallel_loop3A_71 : vector<16xf32>
      %parallel_loop3A_73 = arith.constant 2 : i32
      %parallel_loop3A_74 = arith.index_cast %parallel_loop3A_73 : i32 to index
      %parallel_loop3A_75 = arith.index_cast %parallel_loop3A_63 : i32 to index
      %parallel_loop3A_76 = tpu.vector_load %arg10[%parallel_loop3A_74, %parallel_loop3A_75] {strides = array<i32>} : memref<16x640xf32, #tpu.memory_space<vmem>>, vector<16xf32>,
      %parallel_loop3A_77 = arith.addf %parallel_loop3A_72, %parallel_loop3A_76 : vector<16xf32>
      %parallel_loop3A_78 = arith.constant 3 : i32
      %parallel_loop3A_79 = arith.index_cast %parallel_loop3A_78 : i32 to index
      %parallel_loop3A_80 = arith.index_cast %parallel_loop3A_63 : i32 to index
      %parallel_loop3A_81 = tpu.vector_load %arg10[%parallel_loop3A_79, %parallel_loop3A_80] {strides = array<i32>} : memref<16x640xf32, #tpu.memory_space<vmem>>, vector<16xf32>,
      %parallel_loop3A_82 = arith.addf %parallel_loop3A_77, %parallel_loop3A_81 : vector<16xf32>
      %parallel_loop3A_83 = arith.constant 4 : i32
      %parallel_loop3A_84 = arith.index_cast %parallel_loop3A_83 : i32 to index
      %parallel_loop3A_85 = arith.index_cast %parallel_loop3A_63 : i32 to index
      %parallel_loop3A_86 = tpu.vector_load %arg10[%parallel_loop3A_84, %parallel_loop3A_85] {strides = array<i32>} : memref<16x640xf32, #tpu.memory_space<vmem>>, vector<16xf32>,
      %parallel_loop3A_87 = arith.addf %parallel_loop3A_82, %parallel_loop3A_86 : vector<16xf32>
      %parallel_loop3A_88 = arith.constant 5 : i32
      %parallel_loop3A_89 = arith.index_cast %parallel_loop3A_88 : i32 to index
      %parallel_loop3A_90 = arith.index_cast %parallel_loop3A_63 : i32 to index
      %parallel_loop3A_91 = tpu.vector_load %arg10[%parallel_loop3A_89, %parallel_loop3A_90] {strides = array<i32>} : memref<16x640xf32, #tpu.memory_space<vmem>>, vector<16xf32>,
      %parallel_loop3A_92 = arith.addf %parallel_loop3A_87, %parallel_loop3A_91 : vector<16xf32>
      %parallel_loop3A_93 = arith.constant 6 : i32
      %parallel_loop3A_94 = arith.index_cast %parallel_loop3A_93 : i32 to index
      %parallel_loop3A_95 = arith.index_cast %parallel_loop3A_63 : i32 to index
      %parallel_loop3A_96 = tpu.vector_load %arg10[%parallel_loop3A_94, %parallel_loop3A_95] {strides = array<i32>} : memref<16x640xf32, #tpu.memory_space<vmem>>, vector<16xf32>,
      %parallel_loop3A_97 = arith.addf %parallel_loop3A_92, %parallel_loop3A_96 : vector<16xf32>
      %parallel_loop3A_98 = arith.constant 7 : i32
      %parallel_loop3A_99 = arith.index_cast %parallel_loop3A_98 : i32 to index
      %parallel_loop3A_100 = arith.index_cast %parallel_loop3A_63 : i32 to index
      %parallel_loop3A_101 = tpu.vector_load %arg10[%parallel_loop3A_99, %parallel_loop3A_100] {strides = array<i32>} : memref<16x640xf32, #tpu.memory_space<vmem>>, vector<16xf32>,
      %parallel_loop3A_102 = arith.addf %parallel_loop3A_97, %parallel_loop3A_101 : vector<16xf32>
      %parallel_loop3A_103 = arith.constant 8 : i32
      %parallel_loop3A_104 = arith.index_cast %parallel_loop3A_103 : i32 to index
      %parallel_loop3A_105 = arith.index_cast %parallel_loop3A_63 : i32 to index
      %parallel_loop3A_106 = tpu.vector_load %arg10[%parallel_loop3A_104, %parallel_loop3A_105] {strides = array<i32>} : memref<16x640xf32, #tpu.memory_space<vmem>>, vector<16xf32>,
      %parallel_loop3A_107 = arith.addf %parallel_loop3A_102, %parallel_loop3A_106 : vector<16xf32>
      %parallel_loop3A_108 = arith.constant 9 : i32
      %parallel_loop3A_109 = arith.index_cast %parallel_loop3A_108 : i32 to index
      %parallel_loop3A_110 = arith.index_cast %parallel_loop3A_63 : i32 to index
      %parallel_loop3A_111 = tpu.vector_load %arg10[%parallel_loop3A_109, %parallel_loop3A_110] {strides = array<i32>} : memref<16x640xf32, #tpu.memory_space<vmem>>, vector<16xf32>,
      %parallel_loop3A_112 = arith.addf %parallel_loop3A_107, %parallel_loop3A_111 : vector<16xf32>
      %parallel_loop3A_113 = arith.constant 10 : i32
      %parallel_loop3A_114 = arith.index_cast %parallel_loop3A_113 : i32 to index
      %parallel_loop3A_115 = arith.index_cast %parallel_loop3A_63 : i32 to index
      %parallel_loop3A_116 = tpu.vector_load %arg10[%parallel_loop3A_114, %parallel_loop3A_115] {strides = array<i32>} : memref<16x640xf32, #tpu.memory_space<vmem>>, vector<16xf32>,
      %parallel_loop3A_117 = arith.addf %parallel_loop3A_112, %parallel_loop3A_116 : vector<16xf32>
      %parallel_loop3A_118 = arith.constant 11 : i32
      %parallel_loop3A_119 = arith.index_cast %parallel_loop3A_118 : i32 to index
      %parallel_loop3A_120 = arith.index_cast %parallel_loop3A_63 : i32 to index
      %parallel_loop3A_121 = tpu.vector_load %arg10[%parallel_loop3A_119, %parallel_loop3A_120] {strides = array<i32>} : memref<16x640xf32, #tpu.memory_space<vmem>>, vector<16xf32>,
      %parallel_loop3A_122 = arith.addf %parallel_loop3A_117, %parallel_loop3A_121 : vector<16xf32>
      %parallel_loop3A_123 = arith.constant 12 : i32
      %parallel_loop3A_124 = arith.index_cast %parallel_loop3A_123 : i32 to index
      %parallel_loop3A_125 = arith.index_cast %parallel_loop3A_63 : i32 to index
      %parallel_loop3A_126 = tpu.vector_load %arg10[%parallel_loop3A_124, %parallel_loop3A_125] {strides = array<i32>} : memref<16x640xf32, #tpu.memory_space<vmem>>, vector<16xf32>,
      %parallel_loop3A_127 = arith.addf %parallel_loop3A_122, %parallel_loop3A_126 : vector<16xf32>
      %parallel_loop3A_128 = arith.constant 13 : i32
      %parallel_loop3A_129 = arith.index_cast %parallel_loop3A_128 : i32 to index
      %parallel_loop3A_130 = arith.index_cast %parallel_loop3A_63 : i32 to index
      %parallel_loop3A_131 = tpu.vector_load %arg10[%parallel_loop3A_129, %parallel_loop3A_130] {strides = array<i32>} : memref<16x640xf32, #tpu.memory_space<vmem>>, vector<16xf32>,
      %parallel_loop3A_132 = arith.addf %parallel_loop3A_127, %parallel_loop3A_131 : vector<16xf32>
      %parallel_loop3A_133 = arith.constant 14 : i32
      %parallel_loop3A_134 = arith.index_cast %parallel_loop3A_133 : i32 to index
      %parallel_loop3A_135 = arith.index_cast %parallel_loop3A_63 : i32 to index
      %parallel_loop3A_136 = tpu.vector_load %arg10[%parallel_loop3A_134, %parallel_loop3A_135] {strides = array<i32>} : memref<16x640xf32, #tpu.memory_space<vmem>>, vector<16xf32>,
      %parallel_loop3A_137 = arith.addf %parallel_loop3A_132, %parallel_loop3A_136 : vector<16xf32>
      %parallel_loop3A_138 = arith.constant 15 : i32
      %parallel_loop3A_139 = arith.index_cast %parallel_loop3A_138 : i32 to index
      %parallel_loop3A_140 = arith.index_cast %parallel_loop3A_63 : i32 to index
      %parallel_loop3A_141 = tpu.vector_load %arg10[%parallel_loop3A_139, %parallel_loop3A_140] {strides = array<i32>} : memref<16x640xf32, #tpu.memory_space<vmem>>, vector<16xf32>,
      %parallel_loop3A_142 = arith.addf %parallel_loop3A_137, %parallel_loop3A_141 : vector<16xf32>
      %parallel_loop3A_143 = arith.constant 1.000000e+00 : f32
      %parallel_loop3A_144 = vector.broadcast %parallel_loop3A_143 : f32 to vector<16xf32>
      %parallel_loop3A_145 = arith.maximumf %parallel_loop3A_142, %parallel_loop3A_144 : vector<16xf32>
      %parallel_loop3A_146 = vector.bitcast %parallel_loop3A_145 : vector<16xf32> to vector<16xi32>
      %parallel_loop3A_147 = arith.constant 1 : i32
      %parallel_loop3A_148 = vector.broadcast %parallel_loop3A_147 : i32 to vector<16xi32>
      %parallel_loop3A_149 = arith.shrsi %parallel_loop3A_146, %parallel_loop3A_148 : vector<16xi32>
      %parallel_loop3A_150 = arith.constant 1597463007 : i32
      %parallel_loop3A_151 = vector.broadcast %parallel_loop3A_150 : i32 to vector<16xi32>
      %parallel_loop3A_152 = arith.subi %parallel_loop3A_151, %parallel_loop3A_149 : vector<16xi32>
      %parallel_loop3A_153 = vector.bitcast %parallel_loop3A_152 : vector<16xi32> to vector<16xf32>
      %parallel_loop3A_154 = arith.constant 5.000000e-01 : f32
      %parallel_loop3A_155 = vector.broadcast %parallel_loop3A_154 : f32 to vector<16xf32>
      %parallel_loop3A_156 = arith.mulf %parallel_loop3A_155, %parallel_loop3A_145 : vector<16xf32>
      %parallel_loop3A_157 = arith.mulf %parallel_loop3A_156, %parallel_loop3A_153 : vector<16xf32>
      %parallel_loop3A_158 = arith.mulf %parallel_loop3A_157, %parallel_loop3A_153 : vector<16xf32>
      %parallel_loop3A_159 = arith.constant 1.500000e+00 : f32
      %parallel_loop3A_160 = vector.broadcast %parallel_loop3A_159 : f32 to vector<16xf32>
      %parallel_loop3A_161 = arith.subf %parallel_loop3A_160, %parallel_loop3A_158 : vector<16xf32>
      %parallel_loop3A_162 = arith.mulf %parallel_loop3A_153, %parallel_loop3A_161 : vector<16xf32>
      %parallel_loop3A_163 = arith.constant 5.000000e-01 : f32
      %parallel_loop3A_164 = vector.broadcast %parallel_loop3A_163 : f32 to vector<16xf32>
      %parallel_loop3A_165 = arith.mulf %parallel_loop3A_164, %parallel_loop3A_145 : vector<16xf32>
      %parallel_loop3A_166 = arith.mulf %parallel_loop3A_165, %parallel_loop3A_162 : vector<16xf32>
      %parallel_loop3A_167 = arith.mulf %parallel_loop3A_166, %parallel_loop3A_162 : vector<16xf32>
      %parallel_loop3A_168 = arith.constant 1.500000e+00 : f32
      %parallel_loop3A_169 = vector.broadcast %parallel_loop3A_168 : f32 to vector<16xf32>
      %parallel_loop3A_170 = arith.subf %parallel_loop3A_169, %parallel_loop3A_167 : vector<16xf32>
      %parallel_loop3A_171 = arith.mulf %parallel_loop3A_162, %parallel_loop3A_170 : vector<16xf32>
      %parallel_loop3A_172 = arith.constant 5.000000e-01 : f32
      %parallel_loop3A_173 = vector.broadcast %parallel_loop3A_172 : f32 to vector<16xf32>
      %parallel_loop3A_174 = arith.mulf %parallel_loop3A_173, %parallel_loop3A_145 : vector<16xf32>
      %parallel_loop3A_175 = arith.mulf %parallel_loop3A_174, %parallel_loop3A_171 : vector<16xf32>
      %parallel_loop3A_176 = arith.mulf %parallel_loop3A_175, %parallel_loop3A_171 : vector<16xf32>
      %parallel_loop3A_177 = arith.constant 1.500000e+00 : f32
      %parallel_loop3A_178 = vector.broadcast %parallel_loop3A_177 : f32 to vector<16xf32>
      %parallel_loop3A_179 = arith.subf %parallel_loop3A_178, %parallel_loop3A_176 : vector<16xf32>
      %parallel_loop3A_180 = arith.mulf %parallel_loop3A_171, %parallel_loop3A_179 : vector<16xf32>
      %parallel_loop3A_181 = arith.index_cast %parallel_loop3A_63 : i32 to index
      %parallel_loop3A_182 = tpu.vector_load %arg11[%parallel_loop3A_181] {strides = array<i32>} : memref<640xf32, #tpu.memory_space<vmem>>, vector<16xf32>,
      tpu.vector_store %arg11[%parallel_loop3A_181], %parallel_loop3A_180 {strides = array<i32>} : memref<640xf32, #tpu.memory_space<vmem>>, vector<16xf32>,
    } {sc.loop_unroll_factor = 4 : i64, sc.parallel_access}
    "tpu.region"() ({
      %run_scoped3A = tpu.sem_alloc : memref<!tpu.dma_semaphore, #tpu.memory_space<semaphore_mem>>
      %dma_start3A_61 = tpu.memref_slice %arg13[%mul3A_2] : memref<10240xf32, #tpu.memory_space<vmem_shared>> -> memref<640xf32, #tpu.memory_space<vmem_shared>>
      %dma_start3A_62 = tpu.memref_slice %arg13[%mul3A_2] : memref<10240xf32, #tpu.memory_space<vmem_shared>> -> memref<640xf32, #tpu.memory_space<vmem_shared>>
      tpu.enqueue_dma source(%arg11 : memref<640xf32, #tpu.memory_space<vmem>>) target(%dma_start3A_62 : memref<640xf32, #tpu.memory_space<vmem_shared>>) target_semaphore(%run_scoped3A : memref<!tpu.dma_semaphore, #tpu.memory_space<semaphore_mem>>)
      %dma_wait3A_63 = tpu.memref_slice %arg13[%mul3A_2] : memref<10240xf32, #tpu.memory_space<vmem_shared>> -> memref<640xf32, #tpu.memory_space<vmem_shared>>
      %dma_wait3A_64 = tpu.memref_slice %arg13[%mul3A_2] : memref<10240xf32, #tpu.memory_space<vmem_shared>> -> memref<640xf32, #tpu.memory_space<vmem_shared>>
      tpu.wait_dma2 semaphore(%run_scoped3A : memref<!tpu.dma_semaphore, #tpu.memory_space<semaphore_mem>>) src(%arg11 : memref<640xf32, #tpu.memory_space<vmem>>) dst(%dma_wait3A_64 : memref<640xf32, #tpu.memory_space<vmem_shared>>)
      tpu.yield
    }) : () -> ()
    %barrier3A_54 = arith.constant 0 : index
    tpu.barrier barrier_id(%barrier3A_54)
    tpu.enqueue_dma source(%arg13 : memref<10240xf32, #tpu.memory_space<vmem_shared>>) target(%arg9 : memref<10240xf32, #tpu.memory_space<vmem>>) target_semaphore(%arg14 : memref<!tpu.dma_semaphore, #tpu.memory_space<semaphore_mem>>)
    %parallel_loop3A_55 = arith.constant 0 : i32
    %parallel_loop3A_56 = arith.constant 640 : i32
    %parallel_loop3A_57 = arith.constant 1 : i32
    scf.for %parallel_loop3A_61 = %parallel_loop3A_55 to %parallel_loop3A_56 step %parallel_loop3A_57  : i32 {
      %parallel_loop3A_62 = arith.constant 16 : i32
      %parallel_loop3A_63 = arith.muli %parallel_loop3A_61, %parallel_loop3A_62 : i32
      %parallel_loop3A_64 = arith.index_cast %parallel_loop3A_63 : i32 to index
      %parallel_loop3A_65 = tpu.vector_load %arg7[%parallel_loop3A_64] {strides = array<i32>} : memref<10240xf32, #tpu.memory_space<vmem>>, vector<16xf32>,
      tpu.vector_store %arg7[%parallel_loop3A_64], %broadcast_in_dim3A_3 {strides = array<i32>} : memref<10240xf32, #tpu.memory_space<vmem>>, vector<16xf32>,
    } {sc.loop_unroll_factor = 16 : i64, sc.parallel_access}
    tpu.wait_dma2 semaphore(%arg14 : memref<!tpu.dma_semaphore, #tpu.memory_space<semaphore_mem>>) src(%arg13 : memref<10240xf32, #tpu.memory_space<vmem_shared>>) dst(%arg9 : memref<10240xf32, #tpu.memory_space<vmem>>)
    %parallel_loop3A_58 = arith.constant 0 : i32
    %parallel_loop3A_59 = arith.constant 656 : i32
    %parallel_loop3A_60 = arith.constant 1 : i32
    scf.for %parallel_loop3A_61 = %parallel_loop3A_58 to %parallel_loop3A_59 step %parallel_loop3A_60  : i32 {
      %parallel_loop3A_62 = arith.constant 16 : i32
      %parallel_loop3A_63 = arith.muli %parallel_loop3A_61, %parallel_loop3A_62 : i32
      %parallel_loop3A_64 = vector.broadcast %parallel_loop3A_63 : i32 to vector<16xi32>
      %parallel_loop3A_65 = arith.addi %parallel_loop3A_64, %iota3A : vector<16xi32>
      %parallel_loop3A_66 = vector.broadcast %select_n3A_12 : i32 to vector<16xi32>
      %parallel_loop3A_67 = arith.cmpi slt, %parallel_loop3A_65, %parallel_loop3A_66 : vector<16xi32>
      %parallel_loop3A_68 = arith.constant 1 : i32
      %parallel_loop3A_69 = arith.index_cast %parallel_loop3A_68 : i32 to index
      %parallel_loop3A_70 = arith.index_cast %parallel_loop3A_63 : i32 to index
      %parallel_loop3A_71 = tpu.vector_load %arg5[%parallel_loop3A_69, %parallel_loop3A_70] {strides = array<i32>} : memref<2x10496xi32, #tpu.memory_space<vmem>>, vector<16xi32>,
      %parallel_loop3A_72 = tpu.vector_load_idx %arg9[%parallel_loop3A_71] masked %parallel_loop3A_67 : memref<10240xf32, #tpu.memory_space<vmem>>[vector<16xi32>], vector<16xf32>, vector<16xi1>
      %parallel_loop3A_73 = arith.constant 0 : i32
      %parallel_loop3A_74 = arith.index_cast %parallel_loop3A_73 : i32 to index
      %parallel_loop3A_75 = arith.index_cast %parallel_loop3A_63 : i32 to index
      %parallel_loop3A_76 = tpu.vector_load %arg5[%parallel_loop3A_74, %parallel_loop3A_75] {strides = array<i32>} : memref<2x10496xi32, #tpu.memory_space<vmem>>, vector<16xi32>,
      tpu.vector_store_idx %arg7[%parallel_loop3A_76], %parallel_loop3A_72 masked %parallel_loop3A_67 {add = true} : memref<10240xf32, #tpu.memory_space<vmem>>[vector<16xi32>], vector<16xf32>, vector<16xi1>
    } {sc.loop_unroll_factor = 8 : i64, sc.parallel_access}
    "tpu.region"() ({
      %run_scoped3A = tpu.sem_alloc : memref<!tpu.dma_semaphore, #tpu.memory_space<semaphore_mem>>
      %dma_start3A_61 = arith.constant 0 : i32
      %dma_start3A_62 = tpu.memref_slice %arg3[%add3A, %dma_start3A_61] : memref<32x10240xf32, #tpu.memory_space<hbm>> -> memref<1x10240xf32, #tpu.memory_space<hbm>>
      %dma_start3A_63 = tpu.memref_squeeze %dma_start3A_62 : memref<1x10240xf32, #tpu.memory_space<hbm>> -> memref<10240xf32, #tpu.memory_space<hbm>>
      %dma_start3A_64 = arith.constant 0 : i32
      %dma_start3A_65 = tpu.memref_slice %arg3[%add3A, %dma_start3A_64] : memref<32x10240xf32, #tpu.memory_space<hbm>> -> memref<1x10240xf32, #tpu.memory_space<hbm>>
      %dma_start3A_66 = tpu.memref_squeeze %dma_start3A_65 : memref<1x10240xf32, #tpu.memory_space<hbm>> -> memref<10240xf32, #tpu.memory_space<hbm>>
      tpu.enqueue_dma source(%arg7 : memref<10240xf32, #tpu.memory_space<vmem>>) target(%dma_start3A_66 : memref<10240xf32, #tpu.memory_space<hbm>>) target_semaphore(%run_scoped3A : memref<!tpu.dma_semaphore, #tpu.memory_space<semaphore_mem>>)
      %dma_wait3A_67 = arith.constant 0 : i32
      %dma_wait3A_68 = tpu.memref_slice %arg3[%add3A, %dma_wait3A_67] : memref<32x10240xf32, #tpu.memory_space<hbm>> -> memref<1x10240xf32, #tpu.memory_space<hbm>>
      %dma_wait3A_69 = tpu.memref_squeeze %dma_wait3A_68 : memref<1x10240xf32, #tpu.memory_space<hbm>> -> memref<10240xf32, #tpu.memory_space<hbm>>
      %dma_wait3A_70 = arith.constant 0 : i32
      %dma_wait3A_71 = tpu.memref_slice %arg3[%add3A, %dma_wait3A_70] : memref<32x10240xf32, #tpu.memory_space<hbm>> -> memref<1x10240xf32, #tpu.memory_space<hbm>>
      %dma_wait3A_72 = tpu.memref_squeeze %dma_wait3A_71 : memref<1x10240xf32, #tpu.memory_space<hbm>> -> memref<10240xf32, #tpu.memory_space<hbm>>
      tpu.wait_dma2 semaphore(%run_scoped3A : memref<!tpu.dma_semaphore, #tpu.memory_space<semaphore_mem>>) src(%arg7 : memref<10240xf32, #tpu.memory_space<vmem>>) dst(%dma_wait3A_72 : memref<10240xf32, #tpu.memory_space<hbm>>)
      tpu.yield
    }) : () -> ()
    return
  }
}

module attributes {stable_mosaic.version = 14 : i64} {
  func.func @body(%arg0: memref<32x10240xf32, #tpu.memory_space<vmem>>, %arg1: memref<32x10240xf32, #tpu.memory_space<vmem>>, %arg2: memref<10000x128xf32, #tpu.memory_space<vmem>>, %arg3: memref<128x128xf32, #tpu.memory_space<vmem>>, %arg4: memref<1x128xf32, #tpu.memory_space<vmem>>, %arg5: memref<128x128xf32, #tpu.memory_space<vmem>>, %arg6: memref<1x128xf32, #tpu.memory_space<vmem>>, %arg7: memref<1x128xf32, #tpu.memory_space<vmem>>) attributes {dimension_semantics = [], scalar_prefetch = 0 : i64, scratch_operands = 0 : i64, tpu.core_type = #tpu.core_type<tc>} {
    %get3A = arith.constant 0 : index
    %get3A_0 = arith.constant 0 : index
    %get3A_1 = vector.load %arg0[%get3A, %get3A_0] : memref<32x10240xf32, #tpu.memory_space<vmem>>, vector<32x10240xf32>
    %reduce_sum3A = arith.constant dense<0.000000e+00> : vector<10240xf32>
    %reduce_sum3A_2 = vector.multi_reduction <add>, %get3A_1, %reduce_sum3A [0] : vector<32x10240xf32> to vector<10240xf32>
    %broadcast_in_dim3A = vector.shape_cast %reduce_sum3A_2 : vector<10240xf32> to vector<1x10240xf32>
    %get3A_3 = arith.constant 0 : index
    %get3A_4 = arith.constant 0 : index
    %get3A_5 = vector.load %arg1[%get3A_3, %get3A_4] : memref<32x10240xf32, #tpu.memory_space<vmem>>, vector<32x10240xf32>
    %reduce_sum3A_6 = arith.constant dense<0.000000e+00> : vector<10240xf32>
    %reduce_sum3A_7 = vector.multi_reduction <add>, %get3A_5, %reduce_sum3A_6 [0] : vector<32x10240xf32> to vector<10240xf32>
    %broadcast_in_dim3A_8 = vector.shape_cast %reduce_sum3A_7 : vector<10240xf32> to vector<1x10240xf32>
    %max3A = arith.constant 1.000000e+00 : f32
    %max3A_9 = vector.broadcast %max3A : f32 to vector<1x10240xf32>
    %max3A_10 = arith.maximumf %broadcast_in_dim3A_8, %max3A_9 : vector<1x10240xf32>
    %rsqrt3A = math.rsqrt %max3A_10 : vector<1x10240xf32>
    %mul3A = arith.mulf %broadcast_in_dim3A, %rsqrt3A : vector<1x10240xf32>
    %slice3A = vector.extract_strided_slice %mul3A {offsets = [0, 0], sizes = [1, 10000], strides = [1, 1]} : vector<1x10240xf32> to vector<1x10000xf32>
    %get3A_11 = arith.constant 0 : index
    %get3A_12 = arith.constant 0 : index
    %get3A_13 = vector.load %arg2[%get3A_11, %get3A_12] : memref<10000x128xf32, #tpu.memory_space<vmem>>, vector<10000x128xf32>
    %dot_general3A = arith.constant dense<0.000000e+00> : vector<1x128xf32>
    %dot_general3A_14 = tpu.matmul %slice3A, %get3A_13, %dot_general3A {dimension_numbers = #tpu.dot_dimension_numbers<[1], [0], [0], [1], [0, 0, 1, 1], [], []>, precision = #tpu.contract_precision<fp32>, transpose_lhs_hint = false} : vector<1x10000xf32>, vector<10000x128xf32>, vector<1x128xf32> -> vector<1x128xf32>
    %get3A_15 = arith.constant 0 : index
    %get3A_16 = arith.constant 0 : index
    %get3A_17 = vector.load %arg3[%get3A_15, %get3A_16] : memref<128x128xf32, #tpu.memory_space<vmem>>, vector<128x128xf32>
    %dot_general3A_18 = arith.constant dense<0.000000e+00> : vector<1x128xf32>
    %dot_general3A_19 = tpu.matmul %dot_general3A_14, %get3A_17, %dot_general3A_18 {dimension_numbers = #tpu.dot_dimension_numbers<[1], [0], [0], [1], [0, 0, 1, 1], [], []>, precision = #tpu.contract_precision<fp32>, transpose_lhs_hint = false} : vector<1x128xf32>, vector<128x128xf32>, vector<1x128xf32> -> vector<1x128xf32>
    %mul3A_20 = arith.constant 9.99999974E-5 : f32
    %mul3A_21 = vector.broadcast %mul3A_20 : f32 to vector<1x128xf32>
    %mul3A_22 = arith.mulf %dot_general3A_19, %mul3A_21 : vector<1x128xf32>
    %get3A_23 = arith.constant 0 : index
    %get3A_24 = arith.constant 0 : index
    %get3A_25 = vector.load %arg4[%get3A_23, %get3A_24] : memref<1x128xf32, #tpu.memory_space<vmem>>, vector<1x128xf32>
    %add3A = arith.addf %mul3A_22, %get3A_25 : vector<1x128xf32>
    %get3A_26 = arith.constant 0 : index
    %get3A_27 = arith.constant 0 : index
    %get3A_28 = vector.load %arg5[%get3A_26, %get3A_27] : memref<128x128xf32, #tpu.memory_space<vmem>>, vector<128x128xf32>
    %dot_general3A_29 = arith.constant dense<0.000000e+00> : vector<1x128xf32>
    %dot_general3A_30 = tpu.matmul %add3A, %get3A_28, %dot_general3A_29 {dimension_numbers = #tpu.dot_dimension_numbers<[1], [1], [0], [0], [0, 0, 1, 0], [], []>, precision = #tpu.contract_precision<fp32>, transpose_lhs_hint = false} : vector<1x128xf32>, vector<128x128xf32>, vector<1x128xf32> -> vector<1x128xf32>
    %get3A_31 = arith.constant 0 : index
    %get3A_32 = arith.constant 0 : index
    %get3A_33 = vector.load %arg6[%get3A_31, %get3A_32] : memref<1x128xf32, #tpu.memory_space<vmem>>, vector<1x128xf32>
    %add3A_34 = arith.addf %dot_general3A_30, %get3A_33 : vector<1x128xf32>
    %swap3A = arith.constant 0 : index
    %swap3A_35 = arith.constant 0 : index
    %swap3A_36 = vector.load %arg7[%swap3A, %swap3A_35] : memref<1x128xf32, #tpu.memory_space<vmem>>, vector<1x128xf32>
    tpu.vector_store %arg7[%swap3A, %swap3A_35], %add3A_34 {strides = array<i32>} : memref<1x128xf32, #tpu.memory_space<vmem>>, vector<1x128xf32>,
    return
  }
}

</mosaic_0001>

<sc_bundles>
// kernel: kernel.4.cloned.1.call-start
scs
__scs_entry_jumppad:
0x0: {  	(pc) =	sbr.rel $0x88, $3  }
0x1: {  	(tag) =	ssettag $0x0;
	lr =	simm.s32 $0x1  }
0x2: {  	[smem:$0x3F9B] =	sst lr;
	_ =	strace $0xD0000000  }
0x3: {  	_ = 	snop  }
0x4: {  	_ = 	snop  }
0x5: {  	_ = 	snop  }
0x6: {  	_ = 	snop  }
0x7: {  	_ = 	snop  }
__scs_overlays_trampoline_lowered:
0x8: {  	[smem:$0x3FAA] =	sst s0  }
0x9: {  	[smem:$0x3FAB] =	sst s1  }
0xa: {  	[smem:$0x3FAC] =	sst s2  }
0xb: {  	[smem:$0x3FAD] =	sst s3  }
0xc: {  	[smem:$0x3FAE] =	sst s4  }
0xd: {  	[smem:$0x3FAF] =	sst s5  }
0xe: {  	[smem:$0x3FB0] =	sst s6  }
0xf: {  	[smem:$0x3FB1] =	sst s7  }
0x10: {  	[smem:$0x3FB2] =	sst s8  }
0x11: {  	[smem:$0x3FB3] =	sst s9;
	s0 =	simm.s32 @!p0 $0x0  }
0x12: {  	s1 =	sld [smem:$0x3F99];
	s0 =	simm.s32 @p0 $0x1  }
0x13: {  	[smem:$0x3FB4] =	sst s0;
	s0 =	simm.s32 @!p1 $0x0  }
0x14: {  	s2 =	sld [smem:$0x3F98];
	s0 =	simm.s32 @p1 $0x1  }
0x15: {  	[smem:$0x3FB5] =	sst s0;
	s0 =	simm.s32 @!p2 $0x0  }
0x16: {  	s3 =	sld [smem:$0x3FDB];
	s0 =	simm.s32 @p2 $0x1  }
0x17: {  	s4 =	simm.s32 $0x1BF5;
	[smem:$0x3FB7] =	sst s0  }
0x18: {  	s0 =	sld [smem:$0x3F9A];
	_ =	swait.ge [sflag:s4], $0x0  }
0x19: {  	s7 =	sld [smem:$0x3F9B]  }
0x1a: {  	s8 =	sadd.s32 $0xFFFFE003, lr  }
0x1b: {  	s9 =	sadd.s32 $0xFFFFFEF7, lr;
	s5 =	simm.s32 $0xFFFFFFFF;
	p2 =	slt.u32 s8, $0xFFFFF086  }
0x1c: {  	p1 =	slt.u32 s9, $0xF7A;
	s5 =	simm.s32 @!p2 $0x0  }
0x1d: {  	s5 =	simm.s32 @p1 $0x1;
	p0 =	seq.s32 s7, s2  }
0x1e: {  	s7 =	smul.u32 @!p0 $0xF7A, s2;
	p2 =	seq.s32 @!p0 s5, $0x0  }
0x1f: {  	s9 =	smul.u32 $0xF7A, s1;
	s8 =	simm.s32 @!p0 $0x1BF5;
	p2 =	por !p2, p0  }
0x20: {  	[sflag:s8] =	ssyncset.s32 @!p0 $0xFFFFF086;
	s6 =	sadd.s32 @!p0 s3, s7;
	s7 =	simm.s32 @!p0 $0x108  }
0x21: {  	s3 =	sadd.s32 s3, s9;
	s6 =	sadd.s32 @!p0 $0x88, s6;
	s7 =	simm.s32 @p2 $0x1082  }
0x22: {  	[simem:s7], [sflag:s8] =	dma.local @!p0 [hbm:s6], $0xF7A  }
0x23: {  	s9 =	sor.u32 $0xD0000000, s2;
	s6 =	simm.s32 $0x108;
	_ =	swait.ge @!p0 [sflag:s8], $0x0  }
0x24: {  	s3 =	sadd.s32 $0x88, s3;
	s6 =	simm.s32 @!p1 $0x1082;
	[sflag:s4] =	ssyncset.s32 $0xFFFFF086  }
0x25: {  	[simem:s6], [sflag:s4] =	dma.local [hbm:s3], $0xF7A  }
0x26: {  	[smem:$0x3F9B] =	sst s1;
	(tag) =	ssettag s2;
	_ =	strace s9  }
0x27: {  	s1 =	sld [smem:$0x3FAB]  }
0x28: {  	s2 =	sld [smem:$0x3FAC]  }
0x29: {  	s4 =	sld [smem:$0x3FAE]  }
0x2a: {  	p0 =	seq.s32 s5, $0x0;
	s5 =	sld [smem:$0x3FAF]  }
0x2b: {  	s6 =	sld [smem:$0x3FB0]  }
0x2c: {  	s7 =	sld [smem:$0x3FB1]  }
0x2d: {  	s3 =	simm.s32 $0x108;
	s8 =	sld [smem:$0x3FB2]  }
0x2e: {  	s3 =	simm.s32 @!p0 $0x1082;
	s9 =	sld [smem:$0x3FB3]  }
0x2f: {  	lr =	sadd.s32 s0, s3;
	s0 =	sld [smem:$0x3FAA]  }
0x30: {  	s3 =	sld [smem:$0x3FAD]  }
0x31: {  	[smem:$0x3FB6] =	sst s10  }
0x32: {  	s10 =	sld [smem:$0x3FB4];
	_ =	sdelay $0x3  }
0x33: {  	p0 =	seq.s32 s10, $0x1;
	s10 =	sld [smem:$0x3FB6];
	_ =	sdelay $0x3  }
0x34: {  	[smem:$0x3FB6] =	sst s10  }
0x35: {  	s10 =	sld [smem:$0x3FB5];
	_ =	sdelay $0x3  }
0x36: {  	p1 =	seq.s32 s10, $0x1;
	s10 =	sld [smem:$0x3FB6];
	_ =	sdelay $0x3  }
0x37: {  	[smem:$0x3FB6] =	sst s10  }
0x38: {  	s10 =	sld [smem:$0x3FB7]  }
0x39: {  	_ = 	snop;
	(pc) =	sbr.ind lr, $3  }
0x3a: {  	_ = 	snop  }
0x3b: {  	_ = 	snop  }
0x3c: {  	p2 =	seq.s32 s10, $0x1;
	s10 =	sld [smem:$0x3FB6]  }
0x3d: {  	_ =	shalt  }
0x3e: {  	_ =	shalt  }
0x3f: {  	_ =	shalt  }
0x40: {  	_ =	shalt  }
0x41: {  	_ =	shalt  }
0x42: {  	_ =	shalt  }
0x43: {  	_ =	shalt  }
0x44: {  	_ =	shalt  }
0x45: {  	_ =	shalt  }
0x46: {  	_ =	shalt  }
0x47: {  	_ =	shalt  }
0x48: {  	_ =	shalt  }
0x49: {  	_ =	shalt  }
0x4a: {  	_ =	shalt  }
0x4b: {  	_ =	shalt  }
0x4c: {  	_ =	shalt  }
0x4d: {  	_ =	shalt  }
0x4e: {  	_ =	shalt  }
0x4f: {  	_ =	shalt  }
0x50: {  	_ =	shalt  }
0x51: {  	_ =	shalt  }
0x52: {  	_ =	shalt  }
0x53: {  	_ =	shalt  }
0x54: {  	_ =	shalt  }
0x55: {  	_ =	shalt  }
0x56: {  	_ =	shalt  }
0x57: {  	_ =	shalt  }
0x58: {  	_ =	shalt  }
0x59: {  	_ =	shalt  }
0x5a: {  	_ =	shalt  }
0x5b: {  	_ =	shalt  }
0x5c: {  	_ =	shalt  }
0x5d: {  	_ =	shalt  }
0x5e: {  	_ =	shalt  }
0x5f: {  	_ =	shalt  }
0x60: {  	_ =	shalt  }
0x61: {  	_ =	shalt  }
0x62: {  	_ =	shalt  }
0x63: {  	_ =	shalt  }
0x64: {  	_ =	shalt  }
0x65: {  	_ =	shalt  }
0x66: {  	_ =	shalt  }
0x67: {  	_ =	shalt  }
0x68: {  	_ =	shalt  }
0x69: {  	_ =	shalt  }
0x6a: {  	_ =	shalt  }
0x6b: {  	_ =	shalt  }
0x6c: {  	_ =	shalt  }
0x6d: {  	_ =	shalt  }
0x6e: {  	_ =	shalt  }
0x6f: {  	_ =	shalt  }
0x70: {  	_ =	shalt  }
0x71: {  	_ =	shalt  }
0x72: {  	_ =	shalt  }
0x73: {  	_ =	shalt  }
0x74: {  	_ =	shalt  }
0x75: {  	_ =	shalt  }
0x76: {  	_ =	shalt  }
0x77: {  	_ =	shalt  }
0x78: {  	_ =	shalt  }
0x79: {  	_ =	shalt  }
0x7a: {  	_ =	shalt  }
0x7b: {  	_ =	shalt  }
0x7c: {  	_ =	shalt  }
0x7d: {  	_ =	shalt  }
0x7e: {  	_ =	shalt  }
0x7f: {  	_ =	shalt  }
0x80: {  	_ =	shalt  }
0x81: {  	_ =	shalt  }
0x82: {  	_ =	shalt  }
0x83: {  	_ =	shalt  }
0x84: {  	_ =	shalt  }
0x85: {  	_ =	shalt  }
0x86: {  	_ =	shalt  }
0x87: {  	_ =	shalt  }
.Lfunc_end0:
.L_simem_size_0:
called_computation_lowered:
.L_overlay_start_0:
0x88: {  	s2 =	sld [smem:$0x3FD9]  }
0x89: {  	s3 =	sld [smem:$0x3FFE];
	_ =	sdelay $0x1  }
0x8a: {  	s1 =	srdreg.scid  }
0x8b: {  	s0 =	sand.u32 $0x1, s1  }
0x8c: {  	s17 =	sshll.u32 s0, $0xA;
	s2 =	sadd.s32 s3, s2  }
0x8d: {  	s2 =	sadd.s32 s2, s17  }
0x8e: {  	[smem:$0x3FC2] =	sst s2  }
0x8f: {  	_ = 	snop  }
0x90: {  	s2 =	sld [smem:$0x3FC8];
	(tm) =	ssettm $0x1  }
0x91: {  	s18 =	sld [smem:$0x3FFB];
	_ =	sdelay $0x3  }
0x92: {  	_ =	strace s18  }
0x93: {  	s3 =	sld [smem:$0x3FFC];
	_ =	sdelay $0x3  }
0x94: {  	_ =	strace s3  }
0x95: {  	s3 =	sld [smem:$0x3FFD];
	_ =	sdelay $0x3  }
0x96: {  	_ =	strace s3  }
0x97: {  	_ =	strace $0x8FFFFFFF  }
0x98: {  	s19 =	sld [smem:$0x3FDB];
	_ =	sdelay $0x1  }
0x99: {  	s4 =	simm.s32 $_scs_section_size  }
0x9a: {  	s5 =	simm.s32 $_size__tile_overlayer_lowered;
	s6 =	simm.s32 $_tile_overlayer_lowered  }
0x9b: {  	s22 =	simm.s32 $0x1BFF;
	s21 =	sshll.u32 s6, $0x1;
	s3 =	sadd.s32 s4, s19  }
0x9c: {  	s7 =	simm.s32 $0x0;
	s20 =	sshll.u32 s5, $0x1;
	s5 =	sadd.s32 s21, s3  }
0x9d: {  	[timem:s7], [sflag:s22] =	dma.local [hbm:s5], s20  }
0x9e: {  	_ =	swait.ge [sflag:s22], s20  }
0x9f: {  	s4 =	ssub.s32 $0x0, s20;
	[sflag:s22] =	ssyncset.done $0x0  }
0xa0: {  	[sflag:s22] =	ssyncadd.s32 s4;
	_ =	sdelay $0x1  }
0xa1: {  	s23 =	simm.s32 $0x1B8B  }
0xa2: {  	_ =	swait.ge [sflag:s23], $0x1  }
0xa3: {  	[sflag:s23] =	ssyncset.done $0x0  }
0xa4: {  	s25 =	simm.s32 $0x1B8E;
	s24 =	sld [smem:$0x3FFE];
	[sflag:s23] =	ssyncadd.s32 $0xFFFFFFFF  }
0xa5: {  	s26 =	simm.s32 $execute0_lowered;
	[smem:$0x3FD2] =	sst s25  }
0xa6: {  	s5 =	sshll.u32 s26, $0x1;
	_ =	strace $0x80000046;
	[dreg:$0x1] =	wrdreg $0xFFFFFFFF  }
0xa7: {  	s28 =	simm.s32 $_size_execute0_lowered;
	s3 =	sadd.s32 s3, s5;
	[dreg:$0x0] =	wrdreg $0x0  }
0xa8: {  	s5 =	sshll.u32 s28, $0x1;
	[dreg:$0x2] =	wrdreg s3  }
0xa9: {  	[dreg:$0x3] =	wrdreg s5  }
0xaa: {  	[dreg:$0x4] =	wrdreg $0xC0  }
0xab: {  	_ =	task [dreg:s7], $0x5FFFF  }
0xac: {  	[dreg:$0x1] =	wrdreg $0xFFFFFFFF  }
0xad: {  	[dreg:$0x0] =	wrdreg $0x60  }
0xae: {  	[dreg:$0x2] =	wrdreg s2  }
0xaf: {  	[dreg:$0x3] =	wrdreg s24  }
0xb0: {  	[dreg:$0x4] =	wrdreg $0x194800  }
0xb1: {  	[dreg:$0x5] =	wrdreg $0x1BC800  }
0xb2: {  	[dreg:$0x6] =	wrdreg $0x9  }
0xb3: {  	_ =	task.clear_ibuf [dreg:s7], $0x7FFFF;
	_ =	strace $0x90000046  }
0xb4: {  	s29 =	simm.s32 $0x9;
	_ =	strace $0x80000048  }
0xb5: {  	_ =	swait.ge [sflag:s29], $0x1  }
0xb6: {  	[sflag:s29] =	ssyncadd.s32 $0xFFFFFFFF  }
0xb7: {  	_ =	strace $0x90000048  }
0xb8: {  	_ =	sfence  }
0xb9: {  	s30 =	sld [smem:$0x0];
	_ =	sdelay $0x2  }
0xba: {  	s31 =	sshll.u32 s1, $0xD;
	s1 =	sshrl.u32 s1, $0x2  }
0xbb: {  	s3 =	sand.u32 $0x4000, s31;
	s1 =	sadd.s32 s1, s30  }
0xbc: {  	s0 =	sor.u32 s3, s0;
	s1 =	sshll.u32 s1, $0x11  }
0xbd: {  	s0 =	sor.u32 s1, s0  }
0xbe: {  	s0 =	sadd.s32 $0x8F2B, s0  }
0xbf: {  	[sflag:s0] =	ssyncadd.remote.s32 $0x1  }
0xc0: {  	_ =	sfence.sel $0xFFFF  }
0xc1: {  	[dreg:$0x0] =	wrdreg $0xFFFFFFFF;
	(pc) =	sbr.abs _section_cstart, $3  }
0xc2: {  	[dreg:$0x1] =	wrdreg $0xFFFFFFFF  }
0xc3: {  	_ =	task.clear_ibuf [dreg:s7], $0x2FFFF;
	_ =	strace $0x9FFFFFFF  }
0xc4: {  	(tm) =	ssettm $0x7FFFFFFF  }
0xc5: {  	_ =	shalt  }
tec
execute0_lowered:
.L_overlay_start_1:
0x0: {  	(tag) =	ssettag $0x1  }
0x1: {  	s1 =	rddreg [dreg:$0x0]  }
0x2: {  	s3 =	rddreg [dreg:$0x1]  }
0x3: {  	s0 =	srdreg.scid;
	s5 =	rddreg [dreg:$0x2]  }
0x4: {  	s10 =	stileid.u32;
	s11 =	rddreg [dreg:$0x3]  }
0x5: {  	s7 =	simm.s32 $0x0;
	s12 =	simm.s32 $0x400;
	s13 =	simm.s32 $0x3  }
0x6: {  	s0 =	sand.u32 $0x1, s0;
	s2 =	sshll.u32 s10, $0x1;
	s4 =	sshrl.u32 s10, $0x2  }
0x7: {  	[smem:$0x7FF] =	sst s7;
	p0 =	seq.s32 s10, $0xF;
	s8 =	smul.u32 $0x1380, s10  }
0x8: {  	s7 =	simm.s32 $0x2900;
	s9 =	sshrl.u32 s10, $0x3;
	s24 =	smul.u32 $0x5000, s10  }
0x9: {  	s25 =	sshll.u32 s10, $0x7;
	s26 =	smul.u32 $0xA00, s10;
	s10 =	simm.s32 $0xF200  }
0xa: {  	s2 =	sor.u32 s0, s2;
	s4 =	smul.u32 $0x14000, s4;
	_ =	strace $0x80000047  }
0xb: {  	s0 =	ssub.s32 $0x2, s0;
	s23 =	smul.u32 $0x50000, s9;
	s9 =	simm.s32 $0x11A00  }
0xc: {  	s6 =	sshll.u32 s2, $0x7;
	s22 =	sshrl.u32 s0, $0x1;
	s29 =	sshrl.u32 s26, $0x2  }
0xd: {  	s6 =	sand.u32 $0x380, s6;
	s0 =	ssub.s32 s0, s22;
	s30 =	sadd.s32 s29, s11  }
0xe: {  	s11 =	simm.s32 $0x80;
	s4 =	sor.u32 s4, s6;
	s6 =	simm.s32 $0x5000  }
0xf: {  	s6 =	simm.s32 @!p0 $0x4E00;
	p0 =	seq.s32 s2, $0x1F;
	s2 =	smul.u32 $0x9C0, s2  }
0x10: {  	[dreg:$0x11] =	wrdreg s30;
	s0 =	smax.u32 s0, $0x1;
	s4 =	sshrl.u32 s4, $0x3  }
0x11: {  	[dreg:$0x13] =	wrdreg s0;
	s3 =	sadd.s32 s4, s3;
	s2 =	sadd.s32 s1, s2  }
0x12: {  	s4 =	sshrl.u32 s23, $0x2;
	s1 =	sadd.s32 s1, s8;
	[dreg:$0xc] =	wrdreg s2  }
0x13: {  	s28 =	sadd.s32 $0xB600, s3;
	s4 =	sadd.s32 s4, s5;
	[dreg:$0xd] =	wrdreg s1  }
0x14: {  	v0 =	vlaneseq.u32;
	s31 =	sadd.s32 $0x1600, s3;
	[dreg:$0xe] =	wrdreg s28;
	s2 =	sand.u32 $0x380, s25  }
0x15: {  	v1 =	vmul.u32 $0xFFFFFFFF, v0;
	s1 =	sshrl.u32 s24, $0x2;
	[dreg:$0x12] =	wrdreg s31;
	s2 =	sadd.s32 s2, s4  }
0x16: {  	v2 =	vimm.f32 $0.0e+00;
	s7 =	simm.s32 @!p0 $0x2700;
	s1 =	sadd.s32 s1, s5;
	[dreg:$0xf] =	wrdreg s2  }
0x17: {  	v3 =	vimm.f32 $1.000000000e+00;
	v0 =	vadd.s32 s6, v1;
	s8 =	simm.s32 $0x1;
	v1 =	vadd.s32 s7, v1;
	[dreg:$0x10] =	wrdreg s1;
	s1 =	simm.s32 $0x0  }
.LBB2_1:
0x18: {  	[dreg:$0x14] =	wrdreg s1  }
0x19: {  	s0 =	simm.s32 $0x0;
	s29 =	rddreg [dreg:$0xc]  }
0x1a: {  	[tilespmem:s0], [sflag:$0x1] =	stream.linear.gather [hbm4b:s29+s0], $0x5200, $0x38;
	[tilespmem:$0x1BF00] =	vst v63  }
0x1b: {  	s30 =	rddreg [dreg:$0xd];
	s2 =	simm.s32 $0x5200;
	s31 =	simm.s32 $0xF280  }
0x1c: {  	[tilespmem:s2], [sflag:$0x2] =	stream.linear.gather [hbm4b:s30+s0], $0xA000, $0x38;
	[tilespmem:$0x1BF00] =	vst v63  }
0x1d: {  	[tilespmem:s31+$0xFFFFFF90] =	vst v2  }
0x1e: {  	[tilespmem:s31+$0xFFFFFFA0] =	vst v2  }
0x1f: {  	[tilespmem:s31+$0xFFFFFFB0] =	vst v2  }
0x20: {  	[tilespmem:s31+$0xFFFFFFC0] =	vst v2  }
0x21: {  	[tilespmem:s31+$0xFFFFFFD0] =	vst v2  }
0x22: {  	[tilespmem:s31+$0xFFFFFFE0] =	vst v2  }
0x23: {  	[tilespmem:s31+$0xFFFFFFF0] =	vst v2  }
0x24: {  	[tilespmem:s31+$0x0] =	vst v2  }
0x25: {  	[tilespmem:s31+$0x10] =	vst v2  }
0x26: {  	[tilespmem:s31+$0x20] =	vst v2  }
0x27: {  	[tilespmem:s31+$0x30] =	vst v2  }
0x28: {  	[tilespmem:s31+$0x40] =	vst v2  }
0x29: {  	[tilespmem:s31+$0x50] =	vst v2  }
0x2a: {  	[tilespmem:s31+$0x60] =	vst v2  }
0x2b: {  	[tilespmem:s31+$0x70] =	vst v2  }
0x2c: {  	s0 =	simm.s32 $0x11A80;
	[tilespmem:s31+$0xFFFFFF80] =	vst v2  }
0x2d: {  	[tilespmem:s0+$0xFFFFFF90] =	vst v2  }
0x2e: {  	[tilespmem:s0+$0xFFFFFFA0] =	vst v2  }
0x2f: {  	[tilespmem:s0+$0xFFFFFFB0] =	vst v2  }
0x30: {  	[tilespmem:s0+$0xFFFFFFC0] =	vst v2  }
0x31: {  	[tilespmem:s0+$0xFFFFFFD0] =	vst v2  }
0x32: {  	[tilespmem:s0+$0xFFFFFFE0] =	vst v2  }
0x33: {  	[tilespmem:s0+$0xFFFFFFF0] =	vst v2  }
0x34: {  	[tilespmem:s0+$0x0] =	vst v2  }
0x35: {  	[tilespmem:s0+$0x10] =	vst v2  }
0x36: {  	[tilespmem:s0+$0x20] =	vst v2  }
0x37: {  	[tilespmem:s0+$0x30] =	vst v2  }
0x38: {  	[tilespmem:s0+$0x40] =	vst v2  }
0x39: {  	[tilespmem:s0+$0x50] =	vst v2  }
0x3a: {  	[tilespmem:s0+$0x60] =	vst v2  }
0x3b: {  	[tilespmem:s0+$0x70] =	vst v2  }
0x3c: {  	s1 =	simm.s32 $0x0;
	s2 =	simm.s32 $0xF380;
	[tilespmem:s0+$0xFFFFFF80] =	vst v2  }
.LBB2_2:
0x3d: {  	[tilespmem:s2+$0xFFFFFF90] =	vst v2;
	s0 =	sadd.s32 $0x100, s0  }
0x3e: {  	[tilespmem:s0+$0xFFFFFF90] =	vst v2  }
0x3f: {  	[tilespmem:s2+$0xFFFFFFA0] =	vst v2  }
0x40: {  	[tilespmem:s0+$0xFFFFFFA0] =	vst v2  }
0x41: {  	[tilespmem:s2+$0xFFFFFFB0] =	vst v2  }
0x42: {  	[tilespmem:s0+$0xFFFFFFB0] =	vst v2  }
0x43: {  	[tilespmem:s2+$0xFFFFFFC0] =	vst v2  }
0x44: {  	[tilespmem:s0+$0xFFFFFFC0] =	vst v2  }
0x45: {  	[tilespmem:s2+$0xFFFFFFD0] =	vst v2  }
0x46: {  	[tilespmem:s0+$0xFFFFFFD0] =	vst v2  }
0x47: {  	[tilespmem:s2+$0xFFFFFFE0] =	vst v2  }
0x48: {  	[tilespmem:s0+$0xFFFFFFE0] =	vst v2  }
0x49: {  	[tilespmem:s2+$0xFFFFFFF0] =	vst v2  }
0x4a: {  	[tilespmem:s0+$0xFFFFFFF0] =	vst v2  }
0x4b: {  	[tilespmem:s2+$0x0] =	vst v2  }
0x4c: {  	[tilespmem:s0+$0x0] =	vst v2  }
0x4d: {  	[tilespmem:s2+$0x10] =	vst v2  }
0x4e: {  	[tilespmem:s0+$0x10] =	vst v2  }
0x4f: {  	[tilespmem:s2+$0x20] =	vst v2  }
0x50: {  	[tilespmem:s0+$0x20] =	vst v2  }
0x51: {  	[tilespmem:s2+$0x30] =	vst v2  }
0x52: {  	[tilespmem:s0+$0x30] =	vst v2  }
0x53: {  	[tilespmem:s2+$0x40] =	vst v2  }
0x54: {  	[tilespmem:s0+$0x40] =	vst v2  }
0x55: {  	[tilespmem:s2+$0x50] =	vst v2  }
0x56: {  	s1 =	sadd.s32 $0x10, s1;
	[tilespmem:s0+$0x50] =	vst v2  }
0x57: {  	p0 =	slt.u32 s1, $0x270;
	[tilespmem:s2+$0x60] =	vst v2  }
.Ltmp0:
0x58: {  	[tilespmem:s0+$0x60] =	vst v2;
	(pc) =	sbr.rel @p0 .LBB2_2-.Ltmp0, $4  }
0x59: {  	[tilespmem:s2+$0x70] =	vst v2  }
0x5a: {  	[tilespmem:s0+$0x70] =	vst v2  }
0x5b: {  	[tilespmem:s2+$0xFFFFFF80] =	vst v2  }
0x5c: {  	s2 =	sadd.s32 $0x100, s2;
	[tilespmem:s0+$0xFFFFFF80] =	vst v2  }
0x5d: {  	_ =	swait.ge [sflag:s8], $0x5200  }
0x5e: {  	[sflag:s8] =	ssyncset.done $0x0  }
0x5f: {  	s0 =	simm.s32 $0x2;
	[sflag:s8] =	ssyncadd.s32 $0xFFFFAE00  }
0x60: {  	_ =	swait.ge [sflag:s0], $0xA000  }
0x61: {  	[sflag:s0] =	ssyncset.done $0x0  }
0x62: {  	s2 =	simm.s32 $0x52F0;
	[sflag:s0] =	ssyncadd.s32 $0xFFFF6000  }
0x63: {  	s25 =	simm.s32 $0x70;
	v11 =	vld [tilespmem:s2+$0x0]  }
0x64: {  	s1 =	simm.s32 $0x60;
	v4 =	vmov s25;
	v13 =	vld [tilespmem:s2+$0xFFFFFFF0]  }
0x65: {  	s26 =	simm.s32 $0x50;
	v5 =	vmov s1;
	vm0 =	vlt.u32 v4, v0;
	v14 =	vld [tilespmem:s2+$0xFFFFFFE0]  }
0x66: {  	s28 =	simm.s32 $0x40;
	v7 =	vmov s26;
	vm1 =	vlt.u32 v5, v0;
	v15 =	vld [tilespmem:s2+$0xFFFFFFD0]  }
0x67: {  	s29 =	simm.s32 $0x30;
	v6 =	vmov s28;
	vm2 =	vlt.u32 v7, v0;
	v16 =	vld [tilespmem:s2+$0xFFFFFFC0]  }
0x68: {  	s30 =	simm.s32 $0x20;
	v8 =	vmov s29;
	vm3 =	vlt.u32 v6, v0;
	v17 =	vld [tilespmem:s2+$0xFFFFFFB0]  }
0x69: {  	s31 =	simm.s32 $0x10;
	v9 =	vmov s30;
	vm4 =	vlt.u32 v8, v0;
	v18 =	vld [tilespmem:s2+$0xFFFFFFA0]  }
0x6a: {  	v10 =	vmov s31;
	vm5 =	vlt.u32 v9, v0;
	s0 =	simm.s32 $0x0;
	v12 =	vld [tilespmem:s2+$0xFFFFFF90]  }
0x6b: {  	vm6 =	vlt.u32 v10, v0;
	[tilespmem:v11+s9+$0x0] =	vst.idx.add.f32.msk vm0, v3;
	v11 =	vmov s0  }
0x6c: {  	[tilespmem:v13+s9+$0x0] =	vst.idx.add.f32.msk vm1, v3;
	vm0 =	vlt.u32 v11, v0  }
0x6d: {  	[tilespmem:v14+s9+$0x0] =	vst.idx.add.f32.msk vm2, v3  }
0x6e: {  	[tilespmem:v15+s9+$0x0] =	vst.idx.add.f32.msk vm3, v3  }
0x6f: {  	[tilespmem:v16+s9+$0x0] =	vst.idx.add.f32.msk vm4, v3  }
0x70: {  	[tilespmem:v17+s9+$0x0] =	vst.idx.add.f32.msk vm5, v3  }
0x71: {  	s3 =	simm.s32 $0x0;
	s4 =	simm.s32 $0x80;
	s1 =	simm.s32 $0x40;
	[tilespmem:v18+s9+$0x0] =	vst.idx.add.f32.msk vm6, v3  }
.LBB2_4:
0x72: {  	s5 =	sadd.s32 $0x40, s4;
	s3 =	sadd.s32 $0x8, s3;
	[tilespmem:v12+s9+$0x0] =	vst.idx.add.f32.msk vm0, v3;
	s2 =	sadd.s32 $0x100, s2  }
0x73: {  	v12 =	vmov s5;
	s5 =	sadd.s32 $0x70, s4;
	v13 =	vld [tilespmem:s2+$0x0];
	p0 =	slt.u32 s3, $0x4F8  }
0x74: {  	s6 =	sadd.s32 $0x60, s4;
	v14 =	vld [tilespmem:s2+$0xFFFFFFF0];
	v15 =	vmov s5  }
0x75: {  	v17 =	vmov s6;
	s5 =	sadd.s32 $0x50, s4;
	v16 =	vld [tilespmem:s2+$0xFFFFFFE0];
	vm0 =	vlt.u32 v15, v0  }
0x76: {  	vm1 =	vlt.u32 v17, v0;
	v18 =	vmov s5;
	v15 =	vld [tilespmem:s2+$0xFFFFFFD0]  }
0x77: {  	s5 =	sadd.s32 $0x30, s4;
	vm2 =	vlt.u32 v18, v0;
	v17 =	vld [tilespmem:s2+$0xFFFFFFC0]  }
0x78: {  	s6 =	sadd.s32 $0x20, s4;
	vm3 =	vlt.u32 v12, v0;
	v19 =	vmov s5;
	v18 =	vld [tilespmem:s2+$0xFFFFFFB0]  }
0x79: {  	v21 =	vmov s6;
	s5 =	sadd.s32 $0x10, s4;
	vm4 =	vlt.u32 v19, v0;
	v20 =	vld [tilespmem:s2+$0xFFFFFFA0]  }
0x7a: {  	vm5 =	vlt.u32 v21, v0;
	v19 =	vmov s5;
	v12 =	vld [tilespmem:s2+$0xFFFFFF90]  }
0x7b: {  	v21 =	vmov s4;
	vm6 =	vlt.u32 v19, v0;
	[tilespmem:v13+s9+$0x0] =	vst.idx.add.f32.msk vm0, v3  }
0x7c: {  	vm0 =	vlt.u32 v21, v0;
	[tilespmem:v14+s9+$0x0] =	vst.idx.add.f32.msk vm1, v3  }
.Ltmp1:
0x7d: {  	[tilespmem:v16+s9+$0x0] =	vst.idx.add.f32.msk vm2, v3;
	(pc) =	sbr.rel @p0 .LBB2_4-.Ltmp1, $4  }
0x7e: {  	[tilespmem:v15+s9+$0x0] =	vst.idx.add.f32.msk vm3, v3  }
0x7f: {  	[tilespmem:v17+s9+$0x0] =	vst.idx.add.f32.msk vm4, v3  }
0x80: {  	[tilespmem:v18+s9+$0x0] =	vst.idx.add.f32.msk vm5, v3  }
0x81: {  	s4 =	sadd.s32 $0x80, s4;
	[tilespmem:v20+s9+$0x0] =	vst.idx.add.f32.msk vm6, v3  }
0x82: {  	_ =	sdelay $0x4  }
0x83: {  	[tilespmem:v12+s9+$0x0] =	vst.idx.add.f32.msk vm0, v3  }
0x84: {  	v12 =	vld [tilespmem:s1+$0x30]  }
0x85: {  	v13 =	vld [tilespmem:s1+$0x20]  }
0x86: {  	vm0 =	vlt.u32 v4, v1;
	v14 =	vld [tilespmem:s1+$0x10]  }
0x87: {  	vm1 =	vlt.u32 v5, v1;
	v15 =	vld [tilespmem:s1+$0x0]  }
0x88: {  	vm2 =	vlt.u32 v7, v1;
	v5 =	vld [tilespmem:s1+$0xFFFFFFF0]  }
0x89: {  	vm3 =	vlt.u32 v6, v1;
	v7 =	vld [tilespmem:s1+$0xFFFFFFE0]  }
0x8a: {  	vm4 =	vlt.u32 v8, v1;
	v6 =	vld [tilespmem:s1+$0xFFFFFFD0]  }
0x8b: {  	vm5 =	vlt.u32 v9, v1;
	v4 =	vld [tilespmem:s1+$0xFFFFFFC0]  }
0x8c: {  	vm6 =	vlt.u32 v10, v1;
	[tilespmem:v12+s10+$0x0] =	vst.idx.add.f32.msk vm0, v3  }
0x8d: {  	[tilespmem:v13+s10+$0x0] =	vst.idx.add.f32.msk vm1, v3;
	vm0 =	vlt.u32 v11, v1  }
0x8e: {  	[tilespmem:v14+s10+$0x0] =	vst.idx.add.f32.msk vm2, v3  }
0x8f: {  	[tilespmem:v15+s10+$0x0] =	vst.idx.add.f32.msk vm3, v3  }
0x90: {  	[tilespmem:v5+s10+$0x0] =	vst.idx.add.f32.msk vm4, v3  }
0x91: {  	[tilespmem:v7+s10+$0x0] =	vst.idx.add.f32.msk vm5, v3  }
0x92: {  	s2 =	simm.s32 $0x0;
	[tilespmem:v6+s10+$0x0] =	vst.idx.add.f32.msk vm6, v3  }
.LBB2_6:
0x93: {  	s2 =	sadd.s32 $0x8, s2;
	[tilespmem:v4+s10+$0x0] =	vst.idx.add.f32.msk vm0, v3;
	s0 =	sadd.s32 $0x80, s0;
	s1 =	sadd.s32 $0x100, s1  }
0x94: {  	s3 =	sadd.s32 $0x70, s0;
	v5 =	vld [tilespmem:s1+$0x30];
	p0 =	slt.u32 s2, $0x288  }
0x95: {  	s4 =	sadd.s32 $0x60, s0;
	v6 =	vld [tilespmem:s1+$0x20];
	v4 =	vmov s3  }
0x96: {  	s3 =	sadd.s32 $0x50, s0;
	v8 =	vmov s4;
	v7 =	vld [tilespmem:s1+$0x10];
	vm0 =	vlt.u32 v4, v1  }
0x97: {  	s4 =	sadd.s32 $0x40, s0;
	v4 =	vmov s3;
	vm1 =	vlt.u32 v8, v1;
	v9 =	vld [tilespmem:s1+$0x0]  }
0x98: {  	s3 =	sadd.s32 $0x30, s0;
	v10 =	vmov s4;
	vm2 =	vlt.u32 v4, v1;
	v8 =	vld [tilespmem:s1+$0xFFFFFFF0]  }
0x99: {  	s4 =	sadd.s32 $0x20, s0;
	v4 =	vmov s3;
	vm3 =	vlt.u32 v10, v1;
	v11 =	vld [tilespmem:s1+$0xFFFFFFE0]  }
0x9a: {  	s3 =	sadd.s32 $0x10, s0;
	v12 =	vmov s4;
	vm4 =	vlt.u32 v4, v1;
	v10 =	vld [tilespmem:s1+$0xFFFFFFD0]  }
0x9b: {  	v13 =	vmov s3;
	vm5 =	vlt.u32 v12, v1;
	v4 =	vld [tilespmem:s1+$0xFFFFFFC0]  }
0x9c: {  	v12 =	vmov s0;
	vm6 =	vlt.u32 v13, v1;
	[tilespmem:v5+s10+$0x0] =	vst.idx.add.f32.msk vm0, v3  }
0x9d: {  	vm0 =	vlt.u32 v12, v1;
	[tilespmem:v6+s10+$0x0] =	vst.idx.add.f32.msk vm1, v3  }
.Ltmp2:
0x9e: {  	[tilespmem:v7+s10+$0x0] =	vst.idx.add.f32.msk vm2, v3;
	(pc) =	sbr.rel @p0 .LBB2_6-.Ltmp2, $4  }
0x9f: {  	[tilespmem:v9+s10+$0x0] =	vst.idx.add.f32.msk vm3, v3  }
0xa0: {  	[tilespmem:v8+s10+$0x0] =	vst.idx.add.f32.msk vm4, v3  }
0xa1: {  	[tilespmem:v11+s10+$0x0] =	vst.idx.add.f32.msk vm5, v3  }
0xa2: {  	[tilespmem:v10+s10+$0x0] =	vst.idx.add.f32.msk vm6, v3  }
0xa3: {  	_ =	sdelay $0x4  }
0xa4: {  	[tilespmem:v4+s10+$0x0] =	vst.idx.add.f32.msk vm0, v3  }
0xa5: {  	s0 =	rddreg [dreg:$0xe]  }
0xa6: {  	[hbm4b:s0+s11] =	stream.strided.scatter [tilespmem:s10], [sflag:$0x1], $0x2800, s12, s11, $0x38;
	[tilespmem:$0x1BF00] =	vst v63  }
0xa7: {  	s17 =	rddreg [dreg:$0xf]  }
0xa8: {  	[spmem:s17] =	stream.strided.scatter [tilespmem:s9], [sflag:$0x3], $0x2800, s12, s11, $0x38;
	[tilespmem:$0x1BF00] =	vst v63  }
0xa9: {  	_ =	swait.ge [sflag:s13], $0x2800  }
0xaa: {  	[sflag:s13] =	ssyncset.done $0x0  }
0xab: {  	[sflag:s13] =	ssyncadd.s32 $0xFFFFD800  }
0xac: {  	[bflag:$0x0] =	sbarrier.arrive $0xFFFF  }
0xad: {  	s1 =	simm.s32 $0x1400;
	_ =	swait.ge [sflag:s8], $0x2800  }
0xae: {  	s2 =	simm.s32 $0x14000;
	s3 =	simm.s32 $0x16A00;
	[sflag:s8] =	ssyncset.done $0x0  }
0xaf: {  	s0 =	simm.s32 $0x0;
	s18 =	rddreg [dreg:$0x10];
	[sflag:s8] =	ssyncadd.s32 $0xFFFFD800  }
0xb0: {  	[tilespmem:s3], [sflag:$0x3] =	stream.strided.gather [spmem:s18], $0x2800, s2, s1, $0x38;
	[tilespmem:$0x1BF00] =	vst v63  }
0xb1: {  	s19 =	sand.u32 $0x1C00, s0;
	s2 =	sand.u32 $0x40, s0;
	_ =	swait.ge [sflag:s13], $0x2800  }
0xb2: {  	s4 =	sadd.s32 $0x16A00, s19;
	s31 =	sor.u32 $0x30, s2;
	[sflag:s13] =	ssyncset.done $0x0  }
0xb3: {  	s5 =	sor.u32 s31, s4;
	[sflag:s13] =	ssyncadd.s32 $0xFFFFD800  }
0xb4: {  	v4 =	vld [tilespmem:s5+$0x0]  }
0xb5: {  	s7 =	sor.u32 s2, s4;
	v5 =	vld [tilespmem:s5+$0x80]  }
0xb6: {  	v6 =	vld [tilespmem:s7+$0x0]  }
0xb7: {  	v7 =	vld [tilespmem:s5+$0x100]  }
0xb8: {  	s1 =	sor.u32 $0x10, s2;
	v8 =	vld [tilespmem:s7+$0x80]  }
0xb9: {  	s20 =	sor.u32 s1, s4;
	v9 =	vld [tilespmem:s5+$0x180]  }
0xba: {  	v10 =	vld [tilespmem:s20+$0x0]  }
0xbb: {  	v11 =	vld [tilespmem:s5+$0x200]  }
0xbc: {  	s12 =	sor.u32 $0x20, s2;
	v12 =	vld [tilespmem:s20+$0x80]  }
0xbd: {  	s21 =	sor.u32 s12, s4;
	v13 =	vld [tilespmem:s5+$0x280]  }
0xbe: {  	v14 =	vld [tilespmem:s21+$0x0]  }
0xbf: {  	v15 =	vld [tilespmem:s5+$0x300]  }
0xc0: {  	v16 =	vld [tilespmem:s21+$0x80]  }
0xc1: {  	s22 =	sadd.s32 $0x17E00, s19;
	v17 =	vld [tilespmem:s5+$0x380]  }
0xc2: {  	s23 =	sor.u32 s31, s22;
	v18 =	vld [tilespmem:s7+$0x100]  }
0xc3: {  	s24 =	sadd.s32 $0x17E80, s19;
	v19 =	vld [tilespmem:s23+$0x0]  }
0xc4: {  	s25 =	sor.u32 s31, s24;
	v20 =	vld [tilespmem:s20+$0x100]  }
0xc5: {  	v21 =	vld [tilespmem:s25+$0x0]  }
0xc6: {  	v22 =	vld [tilespmem:s21+$0x100]  }
0xc7: {  	s6 =	sor.u32 $0x18000, s19;
	v24 =	vld [tilespmem:s7+$0x180]  }
0xc8: {  	s15 =	sor.u32 s31, s6;
	v26 =	vld [tilespmem:s20+$0x180]  }
0xc9: {  	v27 =	vld [tilespmem:s15+$0x0]  }
0xca: {  	s4 =	sor.u32 $0x18100, s19;
	v28 =	vld [tilespmem:s21+$0x180]  }
0xcb: {  	s16 =	sor.u32 s31, s4;
	v30 =	vld [tilespmem:s7+$0x200]  }
0xcc: {  	s3 =	sor.u32 $0x18180, s19;
	v31 =	vld [tilespmem:s16+$0x0]  }
0xcd: {  	s17 =	sor.u32 s31, s3;
	v32 =	vld [tilespmem:s20+$0x200]  }
0xce: {  	v33 =	vld [tilespmem:s17+$0x0]  }
0xcf: {  	v34 =	vld [tilespmem:s21+$0x200]  }
0xd0: {  	v35 =	vld [tilespmem:s7+$0x280]  }
0xd1: {  	v36 =	vld [tilespmem:s21+$0x280]  }
0xd2: {  	v37 =	vld [tilespmem:s20+$0x300]  }
0xd3: {  	s14 =	sadd.s32 $0x17F80, s19;
	v38 =	vld [tilespmem:s7+$0x380]  }
0xd4: {  	s9 =	sor.u32 s2, s14;
	v39 =	vld [tilespmem:s21+$0x380]  }
0xd5: {  	s10 =	sor.u32 s1, s14;
	v44 =	vld [tilespmem:s9+$0x0]  }
0xd6: {  	s11 =	sor.u32 s12, s14;
	s13 =	sadd.s32 $0x17F00, s19;
	v52 =	vld [tilespmem:s10+$0x0];
	v4 =	vadd.f32 v5, v4  }
0xd7: {  	s26 =	sor.u32 s31, s13;
	v45 =	vld [tilespmem:s11+$0x0]  }
0xd8: {  	s5 =	sor.u32 s31, s14;
	v23 =	vld [tilespmem:s26+$0x0];
	v4 =	vadd.f32 v7, v4  }
0xd9: {  	s23 =	sor.u32 s12, s24;
	v25 =	vld [tilespmem:s5+$0x0]  }
0xda: {  	s25 =	sor.u32 s1, s13;
	v42 =	vld [tilespmem:s23+$0x0];
	v4 =	vadd.f32 v9, v4  }
0xdb: {  	s14 =	sor.u32 s1, s6;
	v43 =	vld [tilespmem:s25+$0x0]  }
0xdc: {  	s17 =	sor.u32 s2, s4;
	v46 =	vld [tilespmem:s14+$0x0];
	v4 =	vadd.f32 v11, v4  }
0xdd: {  	s5 =	sor.u32 $0x18080, s19;
	s19 =	sor.u32 s1, s22;
	v56 =	vld [tilespmem:s17+$0x0]  }
0xde: {  	s26 =	sor.u32 s12, s13;
	v40 =	vld [tilespmem:s19+$0x0];
	v4 =	vadd.f32 v13, v4  }
0xdf: {  	s15 =	sor.u32 s31, s5;
	v51 =	vld [tilespmem:s26+$0x0]  }
0xe0: {  	s19 =	sor.u32 s2, s3;
	v29 =	vld [tilespmem:s15+$0x0];
	v4 =	vadd.f32 v15, v4  }
0xe1: {  	s16 =	sor.u32 s1, s5;
	s15 =	sor.u32 s2, s5;
	s5 =	sor.u32 s12, s5;
	v59 =	vld [tilespmem:s19+$0x0]  }
0xe2: {  	v55 =	vld [tilespmem:s5+$0x0];
	v4 =	vadd.f32 v17, v4  }
0xe3: {  	v5 =	vld [tilespmem:s20+$0x280]  }
0xe4: {  	v6 =	vadd.f32 v8, v6;
	v8 =	vld [tilespmem:s15+$0x0];
	v4 =	vadd.f32 v19, v4  }
0xe5: {  	v10 =	vadd.f32 v12, v10;
	v12 =	vld [tilespmem:s16+$0x0]  }
0xe6: {  	v7 =	vld [tilespmem:s7+$0x300];
	v4 =	vadd.f32 v21, v4  }
0xe7: {  	v9 =	vld [tilespmem:s21+$0x300];
	s21 =	sor.u32 s2, s24  }
0xe8: {  	v41 =	vld [tilespmem:s21+$0x0];
	v4 =	vadd.f32 v23, v4  }
0xe9: {  	s21 =	sor.u32 s1, s3;
	v11 =	vld [tilespmem:s20+$0x380]  }
0xea: {  	s3 =	sor.u32 s12, s3;
	v60 =	vld [tilespmem:s21+$0x0];
	v4 =	vadd.f32 v25, v4  }
0xeb: {  	s18 =	sor.u32 s2, s22;
	v14 =	vadd.f32 v16, v14;
	v6 =	vadd.f32 v18, v6;
	s20 =	sor.u32 s12, s22;
	s22 =	sor.u32 s1, s24;
	v62 =	vld [tilespmem:s3+$0x0]  }
0xec: {  	v10 =	vadd.f32 v20, v10;
	s24 =	sor.u32 s2, s13;
	v49 =	vld [tilespmem:s22+$0x0];
	v4 =	vadd.f32 v27, v4  }
0xed: {  	v14 =	vadd.f32 v22, v14;
	v6 =	vadd.f32 v24, v6;
	s13 =	sor.u32 s2, s6;
	v50 =	vld [tilespmem:s24+$0x0]  }
0xee: {  	v10 =	vadd.f32 v26, v10;
	s6 =	sor.u32 s12, s6;
	v53 =	vld [tilespmem:s13+$0x0];
	v4 =	vadd.f32 v29, v4  }
0xef: {  	v14 =	vadd.f32 v28, v14;
	v6 =	vadd.f32 v30, v6;
	v54 =	vld [tilespmem:s6+$0x0]  }
0xf0: {  	s14 =	simm.s32 $0x40;
	v10 =	vadd.f32 v32, v10;
	v15 =	vld [tilespmem:s20+$0x0];
	s20 =	simm.s32 $0x200;
	v4 =	vadd.f32 v31, v4  }
0xf1: {  	s2 =	sand.u32 $0x40, s14;
	v14 =	vadd.f32 v34, v14;
	v13 =	vld [tilespmem:s18+$0x0];
	s18 =	sor.u32 s1, s4;
	v6 =	vadd.f32 v35, v6;
	s22 =	sand.u32 $0x1C00, s20  }
0xf2: {  	s28 =	sor.u32 $0x30, s2;
	s4 =	sor.u32 s12, s4;
	v5 =	vadd.f32 v5, v10;
	v57 =	vld [tilespmem:s18+$0x0];
	s8 =	sadd.s32 $0x16A00, s22;
	v4 =	vadd.f32 v33, v4  }
0xf3: {  	v14 =	vadd.f32 v36, v14;
	v58 =	vld [tilespmem:s4+$0x0];
	s24 =	sor.u32 s28, s8  }
0xf4: {  	v6 =	vadd.f32 v7, v6;
	v5 =	vadd.f32 v37, v5;
	v63 =	vld [tilespmem:s24+$0x0];
	v4 =	vmax.f32 v4, $1.000000000e+00  }
0xf5: {  	v9 =	vadd.f32 v9, v14;
	s25 =	sor.u32 s2, s8;
	v36 =	vld [tilespmem:s24+$0x80];
	v61 =	vshra.s32 v4, $0x1;
	v4 =	vmul.f32 $5.000000000e-01, v4  }
0xf6: {  	v6 =	vadd.f32 v38, v6;
	v7 =	vld [tilespmem:s25+$0x0];
	v10 =	vsub.s32 $0x5F3759DF, v61  }
0xf7: {  	v5 =	vadd.f32 v11, v5;
	v9 =	vadd.f32 v39, v9;
	v37 =	vld [tilespmem:s24+$0x100];
	v35 =	vmul.f32 v10, v4  }
0xf8: {  	v11 =	vld [tilespmem:s25+$0x80];
	v6 =	vadd.f32 v13, v6  }
0xf9: {  	s13 =	sadd.s32 $0x17F00, s22;
	v38 =	vld [tilespmem:s24+$0x180];
	v5 =	vadd.f32 v40, v5;
	v9 =	vadd.f32 v15, v9;
	v14 =	vmul.f32 v10, v35  }
0xfa: {  	s23 =	sadd.s32 $0x17F80, s22;
	s15 =	sor.u32 s28, s13;
	v39 =	vld [tilespmem:s24+$0x200];
	v6 =	vadd.f32 v41, v6;
	v13 =	vadd.f32 v36, v63  }
0xfb: {  	s16 =	sor.u32 s28, s23;
	v47 =	vld [tilespmem:s15+$0x0];
	v5 =	vadd.f32 v49, v5;
	v14 =	vsub.f32 $1.500000000e+00, v14  }
0xfc: {  	v48 =	vld [tilespmem:s16+$0x0];
	v9 =	vadd.f32 v42, v9;
	v13 =	vadd.f32 v37, v13  }
0xfd: {  	v6 =	vadd.f32 v50, v6;
	v5 =	vadd.f32 v43, v5;
	v10 =	vmul.f32 v10, v14;
	v14 =	vld [tilespmem:s24+$0x280]  }
0xfe: {  	v42 =	vld [tilespmem:s25+$0x100];
	v9 =	vadd.f32 v51, v9;
	v13 =	vadd.f32 v38, v13  }
0xff: {  	s29 =	sor.u32 $0x10, s2;
	s5 =	sadd.s32 $0x17E00, s22;
	v15 =	vld [tilespmem:s24+$0x300];
	v7 =	vadd.f32 v11, v7;
	v6 =	vadd.f32 v44, v6  }
0x100: {  	s4 =	sadd.s32 $0x17E80, s22;
	s3 =	sor.u32 $0x18000, s22;
	s7 =	sor.u32 $0x18080, s22;
	v22 =	vld [tilespmem:s25+$0x380];
	v5 =	vadd.f32 v52, v5;
	v13 =	vadd.f32 v39, v13  }
0x101: {  	s20 =	sor.u32 $0x18100, s22;
	s6 =	sor.u32 $0x18180, s22;
	s22 =	sor.u32 s29, s8;
	v41 =	vld [tilespmem:s24+$0x380];
	v9 =	vadd.f32 v45, v9;
	v6 =	vadd.f32 v53, v6  }
0x102: {  	s26 =	sor.u32 s28, s5;
	v34 =	vld [tilespmem:s22+$0x200];
	v5 =	vadd.f32 v46, v5;
	v13 =	vadd.f32 v14, v13  }
0x103: {  	s19 =	sor.u32 s28, s20;
	v43 =	vld [tilespmem:s26+$0x0];
	v7 =	vadd.f32 v42, v7;
	v9 =	vadd.f32 v54, v9  }
0x104: {  	s11 =	sor.u32 s28, s4;
	v49 =	vld [tilespmem:s19+$0x0];
	v6 =	vadd.f32 v8, v6;
	v8 =	vadd.f32 v15, v13  }
0x105: {  	s21 =	sor.u32 s28, s6;
	v44 =	vld [tilespmem:s11+$0x0];
	v5 =	vadd.f32 v12, v5;
	v9 =	vadd.f32 v55, v9;
	v40 =	vmul.f32 v10, v4  }
0x106: {  	v50 =	vld [tilespmem:s21+$0x0];
	v6 =	vadd.f32 v56, v6;
	v8 =	vadd.f32 v41, v8  }
0x107: {  	v51 =	vld [tilespmem:s25+$0x280];
	v5 =	vadd.f32 v57, v5;
	v9 =	vadd.f32 v58, v9;
	v17 =	vmul.f32 v40, v10  }
0x108: {  	v54 =	vld [tilespmem:s22+$0x0];
	v6 =	vadd.f32 v59, v6;
	v8 =	vadd.f32 v43, v8  }
0x109: {  	v56 =	vld [tilespmem:s22+$0x80];
	v5 =	vadd.f32 v60, v5;
	v17 =	vsub.f32 $1.500000000e+00, v17  }
0x10a: {  	s17 =	sor.u32 s28, s3;
	v9 =	vadd.f32 v62, v9;
	v6 =	vmax.f32 v6, $1.000000000e+00;
	v14 =	vld [tilespmem:s25+$0x180];
	v8 =	vadd.f32 v44, v8  }
0x10b: {  	v5 =	vmax.f32 v5, $1.000000000e+00;
	v53 =	vshra.s32 v6, $0x1;
	v13 =	vld [tilespmem:s17+$0x0];
	v10 =	vmul.f32 v17, v10  }
0x10c: {  	s30 =	sor.u32 $0x20, s2;
	s18 =	sor.u32 s28, s7;
	v6 =	vmul.f32 $5.000000000e-01, v6;
	v55 =	vshra.s32 v5, $0x1;
	v15 =	vld [tilespmem:s25+$0x200];
	v8 =	vadd.f32 v47, v8  }
0x10d: {  	s9 =	sor.u32 s30, s8;
	v12 =	vld [tilespmem:s18+$0x0];
	v9 =	vmax.f32 v9, $1.000000000e+00;
	v5 =	vmul.f32 $5.000000000e-01, v5;
	v4 =	vmul.f32 v10, v4  }
0x10e: {  	v58 =	vld [tilespmem:s9+$0x0];
	v24 =	vadd.f32 v56, v54;
	v23 =	vsub.s32 $0x5F3759DF, v55;
	v8 =	vadd.f32 v48, v8  }
0x10f: {  	v60 =	vld [tilespmem:s9+$0x80];
	v61 =	vmul.f32 v23, v5;
	v7 =	vadd.f32 v14, v7;
	v4 =	vmul.f32 v4, v10  }
0x110: {  	v52 =	vld [tilespmem:s25+$0x300];
	v57 =	vshra.s32 v9, $0x1;
	v21 =	vsub.s32 $0x5F3759DF, v53;
	v8 =	vadd.f32 v13, v8  }
0x111: {  	v63 =	vld [tilespmem:s9+$0x100];
	v30 =	vmul.f32 v23, v61;
	v7 =	vadd.f32 v15, v7;
	v4 =	vsub.f32 $1.500000000e+00, v4  }
0x112: {  	v62 =	vld [tilespmem:s22+$0x100];
	v9 =	vmul.f32 $5.000000000e-01, v9;
	v27 =	vsub.s32 $0x5F3759DF, v57;
	v8 =	vadd.f32 v12, v8  }
0x113: {  	v33 =	vld [tilespmem:s9+$0x180];
	v7 =	vadd.f32 v51, v7;
	v10 =	vmul.f32 v4, v10;
	v4 =	vsub.f32 $1.500000000e+00, v30  }
0x114: {  	v37 =	vld [tilespmem:s22+$0x280];
	v36 =	vadd.f32 v60, v58;
	v13 =	vmul.f32 v27, v9;
	v8 =	vadd.f32 v49, v8  }
0x115: {  	v42 =	vld [tilespmem:s9+$0x300];
	v59 =	vmul.f32 v21, v6;
	s24 =	sor.u32 s2, s5;
	v7 =	vadd.f32 v52, v7;
	v4 =	vmul.f32 v23, v4  }
0x116: {  	v45 =	vld [tilespmem:s24+$0x0];
	v23 =	vadd.f32 v63, v36;
	v11 =	vmul.f32 v27, v13;
	v8 =	vadd.f32 v50, v8  }
0x117: {  	v24 =	vadd.f32 v62, v24;
	v25 =	vmul.f32 v21, v59;
	v7 =	vadd.f32 v22, v7;
	v12 =	vld [tilespmem:s22+$0x180]  }
0x118: {  	v35 =	vld [tilespmem:s9+$0x200];
	v23 =	vadd.f32 v33, v23;
	v11 =	vsub.f32 $1.500000000e+00, v11;
	v8 =	vmax.f32 v8, $1.000000000e+00  }
0x119: {  	v39 =	vld [tilespmem:s22+$0x300];
	v46 =	vmul.f32 v4, v5;
	v41 =	vshra.s32 v8, $0x1;
	v8 =	vmul.f32 $5.000000000e-01, v8  }
0x11a: {  	s11 =	sor.u32 s29, s13;
	v14 =	vld [tilespmem:s9+$0x280];
	v13 =	vsub.f32 $1.500000000e+00, v25;
	v11 =	vmul.f32 v27, v11;
	v43 =	vsub.s32 $0x5F3759DF, v41  }
0x11b: {  	s16 =	sor.u32 s30, s23;
	v54 =	vld [tilespmem:s11+$0x0];
	v7 =	vadd.f32 v45, v7;
	v16 =	vmul.f32 v46, v4;
	v15 =	vmul.f32 v43, v8  }
0x11c: {  	v60 =	vld [tilespmem:s16+$0x0];
	v13 =	vmul.f32 v21, v13;
	v12 =	vadd.f32 v12, v24;
	v49 =	vmul.f32 v11, v9  }
0x11d: {  	v40 =	vld [tilespmem:s22+$0x380];
	v21 =	vadd.f32 v35, v23;
	v16 =	vsub.f32 $1.500000000e+00, v16;
	v15 =	vmul.f32 v43, v15  }
0x11e: {  	s26 =	sor.u32 s2, s4;
	v44 =	vld [tilespmem:s9+$0x380];
	v38 =	vmul.f32 v13, v6;
	v12 =	vadd.f32 v34, v12;
	v52 =	vmul.f32 v49, v11  }
0x11f: {  	s8 =	sor.u32 s30, s5;
	v50 =	vld [tilespmem:s26+$0x0];
	v14 =	vadd.f32 v14, v21;
	v16 =	vmul.f32 v16, v4;
	v15 =	vsub.f32 $1.500000000e+00, v15  }
0x120: {  	s25 =	sor.u32 s29, s5;
	v48 =	vld [tilespmem:s8+$0x0];
	v17 =	vmul.f32 v38, v13;
	v12 =	vadd.f32 v37, v12;
	v20 =	vsub.f32 $1.500000000e+00, v52  }
0x121: {  	s5 =	sor.u32 s30, s4;
	v47 =	vld [tilespmem:s25+$0x0];
	v14 =	vadd.f32 v42, v14;
	v5 =	vmul.f32 v16, v5;
	v15 =	vmul.f32 v43, v15  }
0x122: {  	v53 =	vld [tilespmem:s5+$0x0];
	s9 =	sor.u32 s29, s4;
	v17 =	vsub.f32 $1.500000000e+00, v17;
	v12 =	vadd.f32 v39, v12;
	v11 =	vmul.f32 v20, v11  }
0x123: {  	s10 =	sor.u32 s2, s13;
	v51 =	vld [tilespmem:s9+$0x0];
	v14 =	vadd.f32 v44, v14;
	v5 =	vmul.f32 v5, v16;
	v55 =	vmul.f32 v15, v8  }
0x124: {  	s4 =	sor.u32 s30, s13;
	v4 =	vld [tilespmem:s10+$0x0];
	v7 =	vadd.f32 v50, v7;
	v12 =	vadd.f32 v40, v12;
	v9 =	vmul.f32 v11, v9  }
0x125: {  	s13 =	sor.u32 s2, s23;
	v56 =	vld [tilespmem:s4+$0x0];
	v13 =	vmul.f32 v17, v13;
	v14 =	vadd.f32 v48, v14;
	v58 =	vmul.f32 v55, v15  }
0x126: {  	s15 =	sor.u32 s29, s23;
	v57 =	vld [tilespmem:s13+$0x0];
	v5 =	vsub.f32 $1.500000000e+00, v5;
	v12 =	vadd.f32 v47, v12;
	v9 =	vmul.f32 v9, v11  }
0x127: {  	s18 =	sor.u32 s29, s3;
	v59 =	vld [tilespmem:s15+$0x0];
	v6 =	vmul.f32 v13, v6;
	v14 =	vadd.f32 v53, v14;
	v18 =	vsub.f32 $1.500000000e+00, v58  }
0x128: {  	s0 =	sand.u32 $0x380, s0;
	v62 =	vld [tilespmem:s18+$0x0];
	s17 =	sor.u32 s2, s3;
	s3 =	sor.u32 s30, s3;
	v5 =	vmul.f32 v5, v16;
	v12 =	vadd.f32 v51, v12;
	v9 =	vsub.f32 $1.500000000e+00, v9  }
0x129: {  	s0 =	sadd.s32 $0x19200, s0;
	v63 =	vld [tilespmem:s3+$0x0];
	v7 =	vadd.f32 v4, v7;
	v4 =	vmul.f32 v18, v15;
	v15 =	vmul.f32 v6, v13  }
0x12a: {  	s21 =	sor.u32 s31, s0;
	v61 =	vld [tilespmem:s17+$0x0];
	s22 =	sor.u32 s29, s7;
	v14 =	vadd.f32 v56, v14;
	v12 =	vadd.f32 v54, v12;
	v9 =	vmul.f32 v9, v11  }
0x12b: {  	s23 =	sor.u32 s12, s0;
	[tilespmem:s21+$0x0] =	vst v10;
	s26 =	sor.u32 s29, s20;
	v10 =	vadd.f32 v57, v7;
	v7 =	vld [tilespmem:s22+$0x0];
	v15 =	vsub.f32 $1.500000000e+00, v15;
	v18 =	vmul.f32 v4, v8  }
0x12c: {  	s1 =	sor.u32 s1, s0;
	s19 =	sor.u32 s2, s7;
	v11 =	vadd.f32 v59, v12;
	v12 =	vadd.f32 v60, v14;
	[tilespmem:s23+$0x0] =	vst v9;
	v9 =	vld [tilespmem:s26+$0x0]  }
0x12d: {  	s31 =	simm.s32 $0x19200;
	s11 =	sor.u32 s2, s6;
	s24 =	sor.u32 s30, s7;
	[tilespmem:s1+$0x0] =	vst v5;
	v6 =	vld [tilespmem:s19+$0x0];
	v5 =	vmul.f32 v15, v13;
	v14 =	vmul.f32 v18, v4  }
0x12e: {  	s0 =	simm.s32 $0x4;
	s4 =	sor.u32 s30, s6;
	s25 =	sor.u32 s2, s20;
	v11 =	vadd.f32 v62, v11;
	v12 =	vadd.f32 v63, v12;
	v8 =	vld [tilespmem:s24+$0x0]  }
0x12f: {  	s7 =	sor.u32 s29, s6;
	s10 =	sor.u32 s30, s20;
	s1 =	simm.s32 $0x400;
	v13 =	vadd.f32 v61, v10;
	v10 =	vld [tilespmem:s25+$0x0];
	[tilespmem:s31+$0x0] =	vst v5;
	v5 =	vsub.f32 $1.500000000e+00, v14  }
.LBB2_8:
0x130: {  	s2 =	sand.u32 $0x380, s14;
	s14 =	sadd.s32 $0x40, s14  }
0x131: {  	s3 =	sand.u32 $0x1C00, s1;
	v14 =	vld [tilespmem:s11+$0x0];
	s23 =	sand.u32 $0x40, s14;
	s8 =	sadd.s32 $0x19200, s2;
	v4 =	vmul.f32 v5, v4  }
0x132: {  	s6 =	sadd.s32 $0x16A00, s3;
	v5 =	vld [tilespmem:s7+$0x0];
	s2 =	sor.u32 s28, s8;
	s28 =	sor.u32 $0x30, s23  }
0x133: {  	s5 =	sor.u32 s28, s6;
	[tilespmem:s2+$0x0] =	vst v4;
	v6 =	vadd.f32 v6, v13;
	v13 =	vld [tilespmem:s10+$0x0]  }
0x134: {  	s20 =	sor.u32 s23, s6;
	v4 =	vld [tilespmem:s5+$0x0]  }
0x135: {  	v7 =	vadd.f32 v7, v11;
	v11 =	vld [tilespmem:s20+$0x0]  }
0x136: {  	v6 =	vadd.f32 v10, v6;
	v10 =	vld [tilespmem:s4+$0x0]  }
0x137: {  	v8 =	vadd.f32 v8, v12;
	v7 =	vadd.f32 v9, v7;
	v9 =	vld [tilespmem:s5+$0x80]  }
0x138: {  	v12 =	vld [tilespmem:s5+$0x100];
	v6 =	vadd.f32 v14, v6  }
0x139: {  	v5 =	vadd.f32 v5, v7;
	v7 =	vld [tilespmem:s20+$0x80];
	v8 =	vadd.f32 v13, v8  }
0x13a: {  	v6 =	vmax.f32 v6, $1.000000000e+00  }
0x13b: {  	v5 =	vmax.f32 v5, $1.000000000e+00;
	v8 =	vadd.f32 v10, v8;
	v10 =	vld [tilespmem:s5+$0x180];
	v13 =	vshra.s32 v6, $0x1  }
0x13c: {  	v46 =	vld [tilespmem:s20+$0x100];
	v6 =	vmul.f32 $5.000000000e-01, v6;
	v4 =	vadd.f32 v9, v4;
	v9 =	vshra.s32 v5, $0x1  }
0x13d: {  	v15 =	vld [tilespmem:s5+$0x200];
	v5 =	vmul.f32 $5.000000000e-01, v5;
	v9 =	vsub.s32 $0x5F3759DF, v9;
	v8 =	vmax.f32 v8, $1.000000000e+00  }
0x13e: {  	v22 =	vld [tilespmem:s20+$0x180];
	v4 =	vadd.f32 v12, v4;
	v12 =	vsub.s32 $0x5F3759DF, v13;
	v7 =	vadd.f32 v7, v11  }
0x13f: {  	v11 =	vld [tilespmem:s5+$0x280];
	v16 =	vshra.s32 v8, $0x1;
	v8 =	vmul.f32 $5.000000000e-01, v8;
	v13 =	vmul.f32 v12, v6  }
0x140: {  	s21 =	sor.u32 $0x10, s23;
	v59 =	vld [tilespmem:s20+$0x200];
	v16 =	vsub.s32 $0x5F3759DF, v16;
	v4 =	vadd.f32 v10, v4;
	v10 =	vmul.f32 v9, v5  }
0x141: {  	s2 =	sor.u32 s21, s6;
	v20 =	vld [tilespmem:s5+$0x300];
	v19 =	vmul.f32 v16, v8;
	v13 =	vmul.f32 v12, v13  }
0x142: {  	v17 =	vld [tilespmem:s2+$0x80];
	v4 =	vadd.f32 v15, v4;
	v10 =	vmul.f32 v9, v10  }
0x143: {  	s26 =	sadd.s32 $0x17E00, s3;
	v45 =	vld [tilespmem:s5+$0x380];
	v15 =	vmul.f32 v16, v19;
	v13 =	vsub.f32 $1.500000000e+00, v13  }
0x144: {  	s24 =	sor.u32 s29, s8;
	s25 =	sor.u32 s30, s8;
	s8 =	sor.u32 s28, s26;
	v14 =	vld [tilespmem:s2+$0x0];
	v4 =	vadd.f32 v11, v4;
	v10 =	vsub.f32 $1.500000000e+00, v10  }
0x145: {  	s9 =	sadd.s32 $0x17E80, s3;
	v11 =	vld [tilespmem:s8+$0x0];
	v12 =	vmul.f32 v12, v13;
	v13 =	vsub.f32 $1.500000000e+00, v15  }
0x146: {  	s22 =	sor.u32 $0x20, s23;
	s13 =	sor.u32 s28, s9;
	v15 =	vld [tilespmem:s2+$0x100];
	v4 =	vadd.f32 v20, v4;
	v9 =	vmul.f32 v9, v10  }
0x147: {  	s15 =	sadd.s32 $0x17F00, s3;
	s12 =	sor.u32 s22, s6;
	[dreg:$0x6] =	wrdreg s24;
	v47 =	vld [tilespmem:s13+$0x0];
	v48 =	vmul.f32 v12, v6;
	v13 =	vmul.f32 v16, v13  }
0x148: {  	[dreg:$0x5] =	wrdreg s25;
	s29 =	smov.u32 s21;
	s16 =	sor.u32 s28, s15;
	v18 =	vld [tilespmem:s12+$0x0];
	v4 =	vadd.f32 v45, v4;
	v50 =	vmul.f32 v9, v5  }
0x149: {  	s30 =	smov.u32 s22;
	s6 =	sor.u32 s23, s26;
	s21 =	sadd.s32 $0x17F80, s3;
	v51 =	vld [tilespmem:s16+$0x0];
	v14 =	vadd.f32 v17, v14;
	v20 =	vmul.f32 v48, v12;
	v52 =	vmul.f32 v13, v8  }
0x14a: {  	v21 =	vld [tilespmem:s12+$0x80];
	[dreg:$0x9] =	wrdreg s6;
	s7 =	sor.u32 s29, s26;
	s22 =	sor.u32 s28, s21;
	v4 =	vadd.f32 v11, v4;
	v11 =	vmul.f32 v50, v9  }
0x14b: {  	s10 =	sor.u32 s23, s9;
	s4 =	sor.u32 s30, s26;
	s26 =	sor.u32 $0x18000, s3;
	v14 =	vadd.f32 v15, v14;
	v15 =	vld [tilespmem:s22+$0x0];
	v53 =	vsub.f32 $1.500000000e+00, v20;
	v54 =	vmul.f32 v52, v13  }
0x14c: {  	s11 =	sor.u32 s29, s9;
	s18 =	sor.u32 s30, s9;
	v49 =	vld [tilespmem:s12+$0x100];
	s6 =	sor.u32 s28, s26;
	v4 =	vadd.f32 v47, v4;
	v11 =	vsub.f32 $1.500000000e+00, v11  }
0x14d: {  	s13 =	sor.u32 s23, s15;
	s17 =	sor.u32 s29, s15;
	v56 =	vld [tilespmem:s6+$0x0];
	s8 =	sor.u32 $0x18080, s3;
	v12 =	vmul.f32 v53, v12;
	v57 =	vsub.f32 $1.500000000e+00, v54  }
0x14e: {  	s19 =	sor.u32 s30, s15;
	s15 =	sor.u32 s23, s21;
	v55 =	vld [tilespmem:s2+$0x180];
	s9 =	sor.u32 s28, s8;
	v4 =	vadd.f32 v51, v4;
	v9 =	vmul.f32 v11, v9  }
0x14f: {  	s25 =	sor.u32 s29, s21;
	[dreg:$0xb] =	wrdreg s10;
	s10 =	sor.u32 $0x18100, s3;
	v11 =	vld [tilespmem:s9+$0x0];
	v6 =	vmul.f32 v12, v6;
	v13 =	vmul.f32 v57, v13  }
0x150: {  	s24 =	sor.u32 s30, s21;
	v58 =	vld [tilespmem:s12+$0x180];
	[dreg:$0xa] =	wrdreg s11;
	s11 =	sor.u32 s28, s10;
	v7 =	vadd.f32 v46, v7;
	v4 =	vadd.f32 v15, v4;
	v5 =	vmul.f32 v9, v5  }
0x151: {  	s5 =	sor.u32 s23, s26;
	s3 =	sor.u32 $0x18180, s3;
	s21 =	sor.u32 s23, s8;
	v15 =	vld [tilespmem:s11+$0x0];
	v6 =	vmul.f32 v6, v12;
	v8 =	vmul.f32 v13, v8  }
0x152: {  	v60 =	vld [tilespmem:s2+$0x200];
	v7 =	vadd.f32 v22, v7;
	s9 =	sor.u32 s23, s10;
	s11 =	sor.u32 s23, s3;
	s23 =	sor.u32 s28, s3;
	v4 =	vadd.f32 v56, v4;
	v5 =	vmul.f32 v5, v9  }
0x153: {  	v10 =	vadd.f32 v21, v18;
	v61 =	vld [tilespmem:s23+$0x0];
	v6 =	vsub.f32 $1.500000000e+00, v6;
	v8 =	vmul.f32 v8, v13  }
0x154: {  	v62 =	vld [tilespmem:s12+$0x200];
	v4 =	vadd.f32 v11, v4;
	v5 =	vsub.f32 $1.500000000e+00, v5  }
0x155: {  	v14 =	vadd.f32 v55, v14;
	v11 =	vld [tilespmem:s20+$0x280];
	v6 =	vmul.f32 v6, v12;
	v8 =	vsub.f32 $1.500000000e+00, v8  }
0x156: {  	s31 =	sadd.s32 $0x40, s31;
	v10 =	vadd.f32 v49, v10;
	v12 =	vld [tilespmem:s2+$0x280];
	v4 =	vadd.f32 v15, v4;
	v5 =	vmul.f32 v5, v9  }
0x157: {  	v7 =	vadd.f32 v59, v7;
	s23 =	rddreg [dreg:$0x6];
	v9 =	vadd.f32 v60, v14;
	v14 =	vld [tilespmem:s12+$0x280];
	[tilespmem:s31+$0x0] =	vst v6;
	v6 =	vmul.f32 v8, v13  }
0x158: {  	v10 =	vadd.f32 v58, v10;
	v8 =	vld [tilespmem:s20+$0x300];
	v4 =	vadd.f32 v61, v4;
	[tilespmem:s23+$0x0] =	vst v5;
	s23 =	rddreg [dreg:$0x5]  }
0x159: {  	v5 =	vld [tilespmem:s2+$0x300];
	[tilespmem:s23+$0x0] =	vst v6  }
0x15a: {  	v10 =	vadd.f32 v62, v10;
	v6 =	vadd.f32 v11, v7;
	v7 =	vld [tilespmem:s12+$0x300];
	v4 =	vmax.f32 v4, $1.000000000e+00  }
0x15b: {  	[dreg:$0x7] =	wrdreg s7;
	v11 =	vld [tilespmem:s20+$0x380];
	v9 =	vadd.f32 v12, v9;
	v12 =	vshra.s32 v4, $0x1;
	v13 =	vmul.f32 $5.000000000e-01, v4  }
0x15c: {  	s23 =	rddreg [dreg:$0x9];
	v4 =	vld [tilespmem:s2+$0x380];
	v12 =	vsub.s32 $0x5F3759DF, v12  }
0x15d: {  	[dreg:$0x8] =	wrdreg s4;
	v15 =	vld [tilespmem:s23+$0x0];
	v10 =	vadd.f32 v14, v10;
	v14 =	vmul.f32 v12, v13  }
0x15e: {  	s7 =	sor.u32 s29, s3;
	s4 =	sor.u32 s30, s3;
	s3 =	rddreg [dreg:$0x7];
	v6 =	vadd.f32 v8, v6;
	v8 =	vld [tilespmem:s12+$0x380]  }
0x15f: {  	s12 =	rddreg [dreg:$0x8];
	v5 =	vadd.f32 v5, v9;
	v9 =	vld [tilespmem:s3+$0x0];
	v7 =	vadd.f32 v7, v10;
	v10 =	vmul.f32 v12, v14  }
0x160: {  	s20 =	rddreg [dreg:$0xb];
	v6 =	vadd.f32 v11, v6;
	v11 =	vld [tilespmem:s12+$0x0]  }
0x161: {  	s23 =	rddreg [dreg:$0xa];
	v14 =	vld [tilespmem:s20+$0x0];
	v4 =	vadd.f32 v4, v5;
	v5 =	vsub.f32 $1.500000000e+00, v10  }
0x162: {  	v10 =	vld [tilespmem:s23+$0x0]  }
0x163: {  	v7 =	vadd.f32 v8, v7;
	v8 =	vld [tilespmem:s18+$0x0];
	v5 =	vmul.f32 v12, v5  }
0x164: {  	v6 =	vadd.f32 v15, v6;
	v15 =	vld [tilespmem:s15+$0x0]  }
0x165: {  	v12 =	vld [tilespmem:s13+$0x0];
	v4 =	vadd.f32 v9, v4;
	v7 =	vadd.f32 v11, v7;
	v11 =	vmul.f32 v5, v13  }
0x166: {  	v9 =	vld [tilespmem:s17+$0x0]  }
0x167: {  	v6 =	vadd.f32 v14, v6;
	v14 =	vld [tilespmem:s19+$0x0];
	v4 =	vadd.f32 v10, v4;
	v10 =	vmul.f32 v11, v5  }
0x168: {  	v7 =	vadd.f32 v8, v7;
	v8 =	vld [tilespmem:s24+$0x0]  }
0x169: {  	v11 =	vld [tilespmem:s25+$0x0];
	v10 =	vsub.f32 $1.500000000e+00, v10  }
0x16a: {  	s16 =	sor.u32 s29, s26;
	v6 =	vadd.f32 v12, v6;
	v12 =	vld [tilespmem:s5+$0x0]  }
0x16b: {  	s0 =	sadd.s32 $0x4, s0;
	s22 =	sor.u32 s30, s26;
	v63 =	vld [tilespmem:s16+$0x0];
	v9 =	vadd.f32 v9, v4;
	v4 =	vmul.f32 v10, v5  }
0x16c: {  	p0 =	slt.u32 s0, $0x24;
	s26 =	sor.u32 s29, s8;
	v5 =	vadd.f32 v15, v6;
	v15 =	vld [tilespmem:s22+$0x0]  }
.Ltmp3:
0x16d: {  	v14 =	vadd.f32 v14, v7;
	v7 =	vld [tilespmem:s26+$0x0];
	v10 =	vmul.f32 v4, v13;
	(pc) =	sbr.rel @p0 .LBB2_8-.Ltmp3, $4  }
0x16e: {  	s6 =	sor.u32 s30, s8;
	v6 =	vld [tilespmem:s21+$0x0];
	v9 =	vadd.f32 v11, v9  }
0x16f: {  	s8 =	sor.u32 s29, s10;
	v14 =	vadd.f32 v8, v14;
	v8 =	vld [tilespmem:s6+$0x0];
	v13 =	vadd.f32 v12, v5;
	v5 =	vmul.f32 v10, v4  }
0x170: {  	v11 =	vadd.f32 v63, v9;
	v9 =	vld [tilespmem:s8+$0x0]  }
0x171: {  	s1 =	sadd.s32 $0x200, s1;
	s10 =	sor.u32 s30, s10;
	v10 =	vld [tilespmem:s9+$0x0];
	v12 =	vadd.f32 v15, v14;
	v5 =	vsub.f32 $1.500000000e+00, v5  }
0x172: {  	v14 =	vld [tilespmem:s10+$0x0]  }
0x173: {  	v50 =	vld [tilespmem:s7+$0x0]  }
0x174: {  	v15 =	vld [tilespmem:s11+$0x0];
	v7 =	vadd.f32 v7, v11  }
0x175: {  	v51 =	vld [tilespmem:s4+$0x0];
	v6 =	vadd.f32 v6, v13  }
0x176: {  	v8 =	vadd.f32 v8, v12;
	v7 =	vadd.f32 v9, v7  }
0x177: {  	v6 =	vadd.f32 v10, v6  }
0x178: {  	v8 =	vadd.f32 v14, v8;
	v7 =	vadd.f32 v50, v7  }
0x179: {  	v6 =	vadd.f32 v15, v6  }
0x17a: {  	v8 =	vadd.f32 v51, v8;
	v7 =	vmax.f32 v7, $1.000000000e+00  }
0x17b: {  	v6 =	vmax.f32 v6, $1.000000000e+00;
	v53 =	vshra.s32 v7, $0x1  }
0x17c: {  	v7 =	vmul.f32 $5.000000000e-01, v7;
	v52 =	vshra.s32 v6, $0x1;
	v8 =	vmax.f32 v8, $1.000000000e+00  }
0x17d: {  	v6 =	vmul.f32 $5.000000000e-01, v6;
	v10 =	vsub.s32 $0x5F3759DF, v53;
	v54 =	vshra.s32 v8, $0x1  }
0x17e: {  	v9 =	vsub.s32 $0x5F3759DF, v52;
	v8 =	vmul.f32 $5.000000000e-01, v8;
	v56 =	vmul.f32 v10, v7  }
0x17f: {  	v55 =	vmul.f32 v9, v6;
	v11 =	vsub.s32 $0x5F3759DF, v54  }
0x180: {  	v57 =	vmul.f32 v11, v8;
	v13 =	vmul.f32 v10, v56  }
0x181: {  	v12 =	vmul.f32 v9, v55  }
0x182: {  	v14 =	vmul.f32 v11, v57;
	v13 =	vsub.f32 $1.500000000e+00, v13  }
0x183: {  	v12 =	vsub.f32 $1.500000000e+00, v12  }
0x184: {  	v58 =	vsub.f32 $1.500000000e+00, v14;
	v10 =	vmul.f32 v10, v13  }
0x185: {  	v9 =	vmul.f32 v9, v12  }
0x186: {  	v11 =	vmul.f32 v11, v58;
	v60 =	vmul.f32 v10, v7  }
0x187: {  	v59 =	vmul.f32 v9, v6  }
0x188: {  	v61 =	vmul.f32 v11, v8;
	v12 =	vmul.f32 v60, v10  }
0x189: {  	v13 =	vmul.f32 v59, v9  }
0x18a: {  	v14 =	vmul.f32 v61, v11;
	v12 =	vsub.f32 $1.500000000e+00, v12  }
0x18b: {  	v13 =	vsub.f32 $1.500000000e+00, v13  }
0x18c: {  	v62 =	vsub.f32 $1.500000000e+00, v14;
	v10 =	vmul.f32 v12, v10  }
0x18d: {  	v9 =	vmul.f32 v13, v9  }
0x18e: {  	v11 =	vmul.f32 v62, v11;
	v7 =	vmul.f32 v10, v7  }
0x18f: {  	v6 =	vmul.f32 v9, v6  }
0x190: {  	v8 =	vmul.f32 v11, v8;
	v7 =	vmul.f32 v7, v10  }
0x191: {  	s0 =	sand.u32 $0x380, s14;
	v6 =	vmul.f32 v6, v9  }
0x192: {  	s0 =	sadd.s32 $0x19200, s0;
	v4 =	vmul.f32 v5, v4;
	v8 =	vmul.f32 v8, v11;
	v5 =	vsub.f32 $1.500000000e+00, v7  }
0x193: {  	s1 =	sor.u32 s28, s0;
	v6 =	vsub.f32 $1.500000000e+00, v6  }
0x194: {  	[tilespmem:s1+$0x0] =	vst v4;
	v63 =	vsub.f32 $1.500000000e+00, v8;
	v4 =	vmul.f32 v5, v10  }
0x195: {  	s2 =	sor.u32 s29, s0;
	v6 =	vmul.f32 v6, v9  }
0x196: {  	s28 =	sadd.s32 $0x40, s31;
	v5 =	vmul.f32 v63, v11;
	[tilespmem:s2+$0x0] =	vst v4  }
0x197: {  	s0 =	sor.u32 s30, s0;
	[tilespmem:s28+$0x0] =	vst v6  }
0x198: {  	[tilespmem:s0+$0x0] =	vst v5  }
0x199: {  	s13 =	simm.s32 $0x3;
	s30 =	simm.s32 $0x19200;
	s0 =	rddreg [dreg:$0x11]  }
0x19a: {  	[spmem:s0] =	stream.linear.scatter [tilespmem:s30], [sflag:$0x3], $0x280, $0x38;
	[tilespmem:$0x1BF00] =	vst v63  }
0x19b: {  	_ =	swait.ge [sflag:s13], $0x280  }
0x19c: {  	[sflag:s13] =	ssyncset.done $0x0  }
0x19d: {  	[sflag:s13] =	ssyncadd.s32 $0xFFFFFD80  }
0x19e: {  	[bflag:$0x0] =	sbarrier.arrive $0xFFFF  }
0x19f: {  	s7 =	simm.s32 $0x14200;
	s0 =	simm.s32 $0xF280;
	s31 =	rddreg [dreg:$0x3]  }
0x1a0: {  	[tilespmem:s7], [sflag:$0x1] =	stream.linear.gather [spmem:s31], $0x2800, $0x38;
	[tilespmem:$0x1BF00] =	vst v63  }
0x1a1: {  	[tilespmem:s0+$0xFFFFFF80] =	vst v2  }
0x1a2: {  	[tilespmem:s0+$0x70] =	vst v2  }
0x1a3: {  	[tilespmem:s0+$0x60] =	vst v2  }
0x1a4: {  	[tilespmem:s0+$0x50] =	vst v2  }
0x1a5: {  	[tilespmem:s0+$0x40] =	vst v2  }
0x1a6: {  	[tilespmem:s0+$0x30] =	vst v2  }
0x1a7: {  	[tilespmem:s0+$0x20] =	vst v2  }
0x1a8: {  	[tilespmem:s0+$0x10] =	vst v2  }
0x1a9: {  	[tilespmem:s0+$0x0] =	vst v2  }
0x1aa: {  	[tilespmem:s0+$0xFFFFFFF0] =	vst v2  }
0x1ab: {  	[tilespmem:s0+$0xFFFFFFE0] =	vst v2  }
0x1ac: {  	[tilespmem:s0+$0xFFFFFFD0] =	vst v2  }
0x1ad: {  	[tilespmem:s0+$0xFFFFFFC0] =	vst v2  }
0x1ae: {  	[tilespmem:s0+$0xFFFFFFB0] =	vst v2  }
0x1af: {  	s1 =	simm.s32 $0x0;
	[tilespmem:s0+$0xFFFFFFA0] =	vst v2  }
.LBB2_10:
0x1b0: {  	s1 =	sadd.s32 $0x10, s1;
	[tilespmem:s0+$0xFFFFFF90] =	vst v2;
	s0 =	sadd.s32 $0x100, s0  }
0x1b1: {  	[tilespmem:s0+$0xFFFFFF80] =	vst v2;
	p0 =	slt.u32 s1, $0x270  }
0x1b2: {  	[tilespmem:s0+$0x70] =	vst v2  }
0x1b3: {  	[tilespmem:s0+$0x60] =	vst v2  }
0x1b4: {  	[tilespmem:s0+$0x50] =	vst v2  }
0x1b5: {  	[tilespmem:s0+$0x40] =	vst v2  }
0x1b6: {  	[tilespmem:s0+$0x30] =	vst v2  }
0x1b7: {  	[tilespmem:s0+$0x20] =	vst v2  }
0x1b8: {  	[tilespmem:s0+$0x10] =	vst v2  }
0x1b9: {  	[tilespmem:s0+$0x0] =	vst v2  }
0x1ba: {  	[tilespmem:s0+$0xFFFFFFF0] =	vst v2  }
.Ltmp4:
0x1bb: {  	[tilespmem:s0+$0xFFFFFFE0] =	vst v2;
	(pc) =	sbr.rel @p0 .LBB2_10-.Ltmp4, $4  }
0x1bc: {  	[tilespmem:s0+$0xFFFFFFD0] =	vst v2  }
0x1bd: {  	[tilespmem:s0+$0xFFFFFFC0] =	vst v2  }
0x1be: {  	[tilespmem:s0+$0xFFFFFFB0] =	vst v2  }
0x1bf: {  	[tilespmem:s0+$0xFFFFFFA0] =	vst v2  }
0x1c0: {  	[tilespmem:s0+$0xFFFFFF90] =	vst v2;
	s8 =	simm.s32 $0x1  }
0x1c1: {  	_ =	swait.ge [sflag:s8], $0x2800  }
0x1c2: {  	[sflag:s8] =	ssyncset.done $0x0  }
0x1c3: {  	s1 =	simm.s32 $0x80;
	[sflag:s8] =	ssyncadd.s32 $0xFFFFD800  }
0x1c4: {  	v4 =	vld [tilespmem:s1+$0x70]  }
0x1c5: {  	s0 =	simm.s32 $0x70;
	v5 =	vld [tilespmem:s1+$0x0]  }
0x1c6: {  	s2 =	simm.s32 $0x10;
	v6 =	vmov s0;
	v7 =	vld [tilespmem:s1+$0x10]  }
0x1c7: {  	vm2 =	vlt.u32 v6, v1;
	v6 =	vmov s2;
	v8 =	vld [tilespmem:s1+$0x20]  }
0x1c8: {  	vm0 =	vlt.u32 v6, v1;
	v6 =	vld [tilespmem:s1+$0x30]  }
0x1c9: {  	v57 =	vld [tilespmem:s1+$0x40]  }
0x1ca: {  	v58 =	vld [tilespmem:s1+$0xFFFFFFF0]  }
0x1cb: {  	v59 =	vld [tilespmem:s1+$0x50]  }
0x1cc: {  	v60 =	vld [tilespmem:s1+$0x60]  }
0x1cd: {  	s26 =	simm.s32 $0x0;
	v63 =	vld [tilespmem:s1+$0xFFFFFF80]  }
0x1ce: {  	s3 =	simm.s32 $0x20;
	v9 =	vmov s26;
	v14 =	vld [tilespmem:s1+$0xFFFFFF90]  }
0x1cf: {  	s28 =	simm.s32 $0x30;
	v10 =	vmov s3;
	vm1 =	vlt.u32 v9, v1;
	v15 =	vld [tilespmem:s1+$0xFFFFFFA0]  }
0x1d0: {  	s29 =	simm.s32 $0x40;
	v11 =	vmov s28;
	vm3 =	vlt.u32 v10, v1;
	v16 =	vld [tilespmem:s1+$0xFFFFFFB0]  }
0x1d1: {  	s30 =	simm.s32 $0x50;
	v12 =	vmov s29;
	vm4 =	vlt.u32 v11, v1;
	v17 =	vld [tilespmem:s1+$0xFFFFFFC0]  }
0x1d2: {  	v13 =	vmov s30;
	vm5 =	vlt.u32 v12, v1;
	v18 =	vld [tilespmem:s1+$0xFFFFFFD0]  }
0x1d3: {  	vm6 =	vlt.u32 v13, v1;
	v4 =	vld.idx.msk [tilespmem:v4+s7+$0x0], vm2  }
0x1d4: {  	v7 =	vld.idx.msk [tilespmem:v7+s7+$0x0], vm0  }
0x1d5: {  	v61 =	vld.idx.msk [tilespmem:v5+s7+$0x0], vm1  }
0x1d6: {  	v8 =	vld.idx.msk [tilespmem:v8+s7+$0x0], vm3  }
0x1d7: {  	v6 =	vld.idx.msk [tilespmem:v6+s7+$0x0], vm4  }
0x1d8: {  	v9 =	vld.idx.msk [tilespmem:v57+s7+$0x0], vm5  }
0x1d9: {  	v62 =	vld.idx.msk [tilespmem:v59+s7+$0x0], vm6  }
0x1da: {  	s10 =	simm.s32 $0xF200;
	s31 =	simm.s32 $0x60;
	v5 =	vld [tilespmem:s1+$0xFFFFFFE0]  }
0x1db: {  	[tilespmem:v58+s10+$0x0] =	vst.idx.add.f32.msk vm2, v4;
	v4 =	vmov s31  }
0x1dc: {  	[tilespmem:v63+s10+$0x0] =	vst.idx.add.f32.msk vm1, v61;
	vm2 =	vlt.u32 v4, v1  }
0x1dd: {  	[tilespmem:v14+s10+$0x0] =	vst.idx.add.f32.msk vm0, v7  }
0x1de: {  	[tilespmem:v15+s10+$0x0] =	vst.idx.add.f32.msk vm3, v8  }
0x1df: {  	[tilespmem:v16+s10+$0x0] =	vst.idx.add.f32.msk vm4, v6  }
0x1e0: {  	[tilespmem:v17+s10+$0x0] =	vst.idx.add.f32.msk vm5, v9  }
0x1e1: {  	s9 =	simm.s32 $0x11A00;
	s11 =	simm.s32 $0x80;
	[tilespmem:v18+s10+$0x0] =	vst.idx.add.f32.msk vm6, v62  }
0x1e2: {  	s12 =	simm.s32 $0x400;
	s2 =	simm.s32 $0x180;
	s1 =	simm.s32 $0x0;
	vm0 =	vmmov vm2;
	v4 =	vld.idx.msk [tilespmem:v60+s7+$0x0], vm2  }
.LBB2_12:
0x1e3: {  	v6 =	vld [tilespmem:s2+$0x70];
	s1 =	sadd.s32 $0x8, s1;
	s0 =	sadd.s32 $0x80, s0  }
0x1e4: {  	v7 =	vld [tilespmem:s2+$0x0];
	s3 =	sadd.s32 $0xFFFFFFA0, s0;
	s4 =	sadd.s32 $0xFFFFFFB0, s0;
	v8 =	vmov s0;
	p0 =	slt.u32 s1, $0x288  }
0x1e5: {  	s5 =	sadd.s32 $0xFFFFFFE0, s0;
	v9 =	vmov s3;
	v10 =	vld [tilespmem:s2+$0x10];
	v11 =	vmov s4;
	s3 =	sadd.s32 $0xFFFFFFC0, s0;
	s4 =	sadd.s32 $0xFFFFFFD0, s0;
	vm8 =	vlt.u32 v8, v1  }
0x1e6: {  	s6 =	sadd.s32 $0xFFFFFF90, s0;
	v14 =	vmov s5;
	v8 =	vld [tilespmem:s2+$0x20];
	v12 =	vmov s3;
	v13 =	vmov s4;
	s3 =	sadd.s32 $0xFFFFFFF0, s0  }
0x1e7: {  	v15 =	vmov s6;
	vm1 =	vlt.u32 v9, v1;
	v9 =	vld [tilespmem:s2+$0x30];
	v16 =	vmov s3  }
0x1e8: {  	vm6 =	vlt.u32 v15, v1;
	vm5 =	vlt.u32 v11, v1;
	vm3 =	vlt.u32 v12, v1;
	v11 =	vld [tilespmem:s2+$0x40]  }
0x1e9: {  	vm2 =	vlt.u32 v14, v1;
	vm4 =	vlt.u32 v13, v1;
	vm7 =	vlt.u32 v16, v1;
	v12 =	vld [tilespmem:s2+$0xFFFFFFF0]  }
0x1ea: {  	v13 =	vld [tilespmem:s2+$0x50]  }
0x1eb: {  	v6 =	vld.idx.msk [tilespmem:v6+s7+$0x0], vm8  }
0x1ec: {  	v14 =	vld [tilespmem:s2+$0x60]  }
0x1ed: {  	v10 =	vld.idx.msk [tilespmem:v10+s7+$0x0], vm1  }
0x1ee: {  	v7 =	vld.idx.msk [tilespmem:v7+s7+$0x0], vm6  }
0x1ef: {  	v8 =	vld.idx.msk [tilespmem:v8+s7+$0x0], vm5  }
0x1f0: {  	v9 =	vld.idx.msk [tilespmem:v9+s7+$0x0], vm3  }
0x1f1: {  	[tilespmem:v12+s10+$0x0] =	vst.idx.add.f32.msk vm8, v6  }
0x1f2: {  	v6 =	vld.idx.msk [tilespmem:v11+s7+$0x0], vm4  }
0x1f3: {  	v11 =	vld.idx.msk [tilespmem:v13+s7+$0x0], vm2  }
0x1f4: {  	v12 =	vld.idx.msk [tilespmem:v14+s7+$0x0], vm7  }
0x1f5: {  	v13 =	vld [tilespmem:s2+$0xFFFFFF80]  }
0x1f6: {  	v14 =	vld [tilespmem:s2+$0xFFFFFF90]  }
0x1f7: {  	v15 =	vld [tilespmem:s2+$0xFFFFFFA0]  }
0x1f8: {  	v16 =	vld [tilespmem:s2+$0xFFFFFFB0]  }
0x1f9: {  	v17 =	vld [tilespmem:s2+$0xFFFFFFC0]  }
0x1fa: {  	v18 =	vld [tilespmem:s2+$0xFFFFFFD0]  }
0x1fb: {  	v19 =	vld [tilespmem:s2+$0xFFFFFFE0]  }
0x1fc: {  	[tilespmem:v5+s10+$0x0] =	vst.idx.add.f32.msk vm0, v4;
	v4 =	vmov v12;
	vm0 =	vmmov vm7  }
0x1fd: {  	[tilespmem:v13+s10+$0x0] =	vst.idx.add.f32.msk vm6, v7  }
.Ltmp5:
0x1fe: {  	[tilespmem:v14+s10+$0x0] =	vst.idx.add.f32.msk vm1, v10;
	(pc) =	sbr.rel @p0 .LBB2_12-.Ltmp5, $4  }
0x1ff: {  	[tilespmem:v15+s10+$0x0] =	vst.idx.add.f32.msk vm5, v8  }
0x200: {  	[tilespmem:v16+s10+$0x0] =	vst.idx.add.f32.msk vm3, v9;
	v5 =	vmov v19  }
0x201: {  	[tilespmem:v17+s10+$0x0] =	vst.idx.add.f32.msk vm4, v6  }
0x202: {  	s2 =	sadd.s32 $0x100, s2;
	[tilespmem:v18+s10+$0x0] =	vst.idx.add.f32.msk vm2, v11  }
0x203: {  	_ =	sdelay $0x4  }
0x204: {  	[tilespmem:v5+s10+$0x0] =	vst.idx.add.f32.msk vm0, v4  }
0x205: {  	s0 =	rddreg [dreg:$0x12]  }
0x206: {  	[hbm4b:s0+s11] =	stream.strided.scatter [tilespmem:s10], [sflag:$0x3], $0x2800, s12, s11, $0x38;
	[tilespmem:$0x1BF00] =	vst v63  }
0x207: {  	_ =	swait.ge [sflag:s13], $0x2800  }
0x208: {  	s1 =	rddreg [dreg:$0x14]  }
0x209: {  	s31 =	rddreg [dreg:$0x13];
	s1 =	sadd.s32 $0x1, s1  }
0x20a: {  	p0 =	sne.s32 s1, s31  }
.Ltmp6:
0x20b: {  	_ = 	snop;
	(pc) =	sbr.rel @p0 .LBB2_1-.Ltmp6, $3  }
0x20c: {  	_ =	sdelay $0x1  }
0x20d: {  	[sflag:s13] =	ssyncset.done $0x0  }
0x20e: {  	[sflag:s13] =	ssyncadd.s32 $0xFFFFD800  }
0x20f: {  	_ =	sfence.sel $0x180000  }
0x210: {  	[bflag:$0x0] =	sbarrier.arrive $0xFFFF  }
0x211: {  	_ =	strace $0x90000047  }
0x212: {  	s0 =	stileid.u32;
	[bflag:$0x2] =	sbarrier.arrive $0xFFFF  }
0x213: {  	p0 =	sne.s32 s0, $0x0;
	s0 =	rddreg [dreg:$0x4]  }
0x214: {  	s0 =	sadd.s32 @!p0 $0x100000, s0  }
0x215: {  	[sflag:s0] =	ssyncadd.tile.s32 @!p0 $0x1;
	_ =	shalt  }
.Lfunc_end2:
_tile_overlayer_lowered:
.L_overlay_start_2:
0x216: {  	(tag) =	ssettag $0x2  }
0x217: {  	s0 =	rddreg [dreg:$0x0];
	s2 =	stileid.u32  }
0x218: {  	s1 =	rddreg [dreg:$0x1];
	p0 =	sne.s32 s2, $0x0  }
0x219: {  	s3 =	rddreg [dreg:$0x2];
	[bflag:$0x3] =	sbarrier.arrive $0xFFFF;
	s2 =	simm.s32 @!p0 $0x1C03  }
0x21a: {  	[timem:s3], [sflag:s2] =	dma.local @!p0 [hbm:s0], s1  }
0x21b: {  	s0 =	simm.s32 @!p0 $0x3  }
0x21c: {  	_ =	swait.ge @!p0 [sflag:s0], s1  }
0x21d: {  	s1 =	ssub.s32 @!p0 $0x0, s1;
	[sflag:s0] =	ssyncset.done @!p0 $0x0  }
0x21e: {  	[sflag:s0] =	ssyncadd.s32 @!p0 s1  }
0x21f: {  	[bflag:$0x3] =	sbarrier.arrive $0xFFFF  }
0x220: {  	_ =	shalt  }

</sc_bundles>
